<compile_context>
chip_gen: v7x
topology: tpu7x:2x2x1
jax: 0.10.2.dev20260603
libtpu: 0.0.44.dev20260713+nightly
codegen_flags: <defaults>
</compile_context>

<pallas_src>
import dataclasses
import functools

import jax
import jax.numpy as jnp
from jax import lax
from jax.experimental import pallas as pl
from jax.experimental.pallas import tpu as pltpu
from jax.experimental.pallas import tpu_sc as plsc

BATCH = 16384
LATENT_DIM = 32
NUM_CORES = 2
NUM_SUBCORES = 16
NUM_WORKERS = NUM_CORES * NUM_SUBCORES
B_PER_W = BATCH // NUM_WORKERS
LANES = 16


def _mf_kernel_body(uidx_hbm, sidx_hbm, ut_hbm, st_hbm, ub_hbm, sb_hbm,
                    out_hbm, idx_u, idx_s, idx_hi_u, idx_hi_s, u_rows,
                    s_rows, ub_rows, sb_rows, out_v, sem0, sem1, sem2,
                    sem3):
    wid = lax.axis_index("s") * NUM_CORES + lax.axis_index("c")
    base = wid * B_PER_W

    pltpu.sync_copy(uidx_hbm.at[pl.ds(base, B_PER_W)], idx_u)
    pltpu.sync_copy(sidx_hbm.at[pl.ds(base, B_PER_W)], idx_s)

    @pl.loop(0, B_PER_W // LANES)
    def _(g):
        sl = pl.ds(g * LANES, LANES)
        idx_hi_u[sl] = lax.shift_right_logical(idx_u[sl], 4)
        idx_hi_s[sl] = lax.shift_right_logical(idx_s[sl], 4)

    cp0 = pltpu.async_copy(ut_hbm.at[idx_u], u_rows, sem0)
    cp1 = pltpu.async_copy(st_hbm.at[idx_s], s_rows, sem1)
    cp2 = pltpu.async_copy(ub_hbm.at[idx_hi_u], ub_rows, sem2)
    cp3 = pltpu.async_copy(sb_hbm.at[idx_hi_s], sb_rows, sem3)
    cp0.wait()
    cp1.wait()
    cp2.wait()
    cp3.wait()

    lane = lax.iota(jnp.int32, LANES)

    @pl.loop(0, B_PER_W // LANES)
    def _(g):
        gbase = g * LANES
        sl = pl.ds(gbase, LANES)
        rows16 = lane + gbase
        ubias = plsc.load_gather(ub_rows, [rows16, idx_u[sl] & 15])
        sbias = plsc.load_gather(sb_rows, [rows16, idx_s[sl] & 15])
        out_vec = jnp.zeros((LANES,), jnp.float32)
        for j in range(LANES):
            r = gbase + j
            prod = (u_rows[r, pl.ds(0, LANES)] * s_rows[r, pl.ds(0, LANES)]
                    + u_rows[r, pl.ds(LANES, LANES)]
                    * s_rows[r, pl.ds(LANES, LANES)])
            tot = jnp.sum(prod)
            out_vec = jnp.where(lane == j, tot, out_vec)
        out_v[sl] = out_vec + ubias + sbias

    pltpu.sync_copy(out_v, out_hbm.at[pl.ds(base, B_PER_W)])


@jax.jit
def kernel(user_idxs, song_idxs, user_table, song_table, user_bias,
           song_bias):
    user_idxs = user_idxs.astype(jnp.int32)
    song_idxs = song_idxs.astype(jnp.int32)
    ub_g = user_bias.reshape(-1, LANES)
    sb_g = song_bias.reshape(-1, LANES)

    mesh = plsc.VectorSubcoreMesh(core_axis_name="c", subcore_axis_name="s")
    cp = pltpu.CompilerParams()
    fields = pltpu.CompilerParams.__dataclass_fields__
    if "needs_layout_passes" in fields:
        cp = dataclasses.replace(cp, needs_layout_passes=False)
    if "use_tc_tiling_on_sc" in fields:
        cp = dataclasses.replace(cp, use_tc_tiling_on_sc=False)
    f = functools.partial(
        pl.kernel,
        compiler_params=cp,
        out_type=jax.ShapeDtypeStruct((BATCH,), jnp.float32),
        mesh=mesh,
        scratch_types=[
            pltpu.VMEM((B_PER_W,), jnp.int32),
            pltpu.VMEM((B_PER_W,), jnp.int32),
            pltpu.VMEM((B_PER_W,), jnp.int32),
            pltpu.VMEM((B_PER_W,), jnp.int32),
            pltpu.VMEM((B_PER_W, LATENT_DIM), jnp.float32),
            pltpu.VMEM((B_PER_W, LATENT_DIM), jnp.float32),
            pltpu.VMEM((B_PER_W, LANES), jnp.float32),
            pltpu.VMEM((B_PER_W, LANES), jnp.float32),
            pltpu.VMEM((B_PER_W,), jnp.float32),
            pltpu.SemaphoreType.DMA,
            pltpu.SemaphoreType.DMA,
            pltpu.SemaphoreType.DMA,
            pltpu.SemaphoreType.DMA,
        ],
    )(_mf_kernel_body)
    return f(user_idxs, song_idxs, user_table, song_table, ub_g, sb_g)

# --- scband reference (transcript-rebuilt; emitter-appended) ---
"""Pipeline reference for scband-mfmodel-70119636074686 (READ-ONLY COPY).

The authoritative reference and input builder live on the scoring server;
editing this copy changes nothing except your own understanding.
"""

import jax, jax.numpy as jnp
import numpy as np

NUM_USERS = 1000000
NUM_SONGS = 1000000
LATENT_DIM = 32
BATCH = 16384

def setup_inputs(seed: int = 0) -> dict:
    key = jax.random.key(seed)
    k1, k2, k3, k4, k5, k6 = jax.random.split(key, 6)
    user_idxs = jax.random.randint(k1, (BATCH,), 0, NUM_USERS, dtype=jnp.int64 if jax.config.jax_enable_x64 else jnp.int32)
    song_idxs = jax.random.randint(k2, (BATCH,), 0, NUM_SONGS, dtype=jnp.int64 if jax.config.jax_enable_x64 else jnp.int32)
    user_table = jax.random.normal(k3, (NUM_USERS, LATENT_DIM), dtype=jnp.float32) * 0.02
    song_table = jax.random.normal(k4, (NUM_SONGS, LATENT_DIM), dtype=jnp.float32) * 0.02
    user_bias = jax.random.normal(k5, (NUM_USERS, 1), dtype=jnp.float32) * 0.02
    song_bias = jax.random.normal(k6, (NUM_SONGS, 1), dtype=jnp.float32) * 0.02
    return {
        "user_idxs": user_idxs,
        "song_idxs": song_idxs,
        "user_table": user_table,
        "song_table": song_table,
        "user_bias": user_bias,
        "song_bias": song_bias,
    }

def reference(user_idxs, song_idxs, user_table, song_table, user_bias, song_bias):
    user_emb = jnp.take(user_table, user_idxs, axis=0)  # [B, D]
    song_emb = jnp.take(song_table, song_idxs, axis=0)  # [B, D]
    dot = jnp.sum(user_emb * song_emb, axis=1, keepdims=True)  # [B, 1]
    bias = jnp.take(user_bias, user_idxs, axis=0) + jnp.take(song_bias, song_idxs, axis=0)  # [B, 1]
    score = dot + bias  # [B, 1]
    return jnp.squeeze(score, axis=1)  # [B]

if __name__ == "__main__":
    import jax
    _d = setup_inputs()
    print(jax.jit(kernel)(*tuple(_d.values())))

</pallas_src>

<mosaic_0001>
#map = affine_map<(d0, d1) -> (0)>
#map1 = affine_map<(d0, d1) -> (0, 0)>
module attributes {stable_mosaic.version = 14 : i64} {
  func.func @_mf_kernel_body(%arg0: i32, %arg1: i32, %arg2: memref<16384xi32, #tpu.memory_space<hbm>>, %arg3: memref<16384xi32, #tpu.memory_space<hbm>>, %arg4: memref<1000000x32xf32, #tpu.memory_space<hbm>>, %arg5: memref<1000000x32xf32, #tpu.memory_space<hbm>>, %arg6: memref<62500x16xf32, #tpu.memory_space<hbm>>, %arg7: memref<62500x16xf32, #tpu.memory_space<hbm>>, %arg8: memref<16384xf32, #tpu.memory_space<hbm>>, %arg9: memref<512xi32, #tpu.memory_space<vmem>>, %arg10: memref<512xi32, #tpu.memory_space<vmem>>, %arg11: memref<512xi32, #tpu.memory_space<vmem>>, %arg12: memref<512xi32, #tpu.memory_space<vmem>>, %arg13: memref<512x32xf32, #tpu.memory_space<vmem>>, %arg14: memref<512x32xf32, #tpu.memory_space<vmem>>, %arg15: memref<512x16xf32, #tpu.memory_space<vmem>>, %arg16: memref<512x16xf32, #tpu.memory_space<vmem>>, %arg17: memref<512xf32, #tpu.memory_space<vmem>>, %arg18: memref<!tpu.dma_semaphore, #tpu.memory_space<semaphore_mem>>, %arg19: memref<!tpu.dma_semaphore, #tpu.memory_space<semaphore_mem>>, %arg20: memref<!tpu.dma_semaphore, #tpu.memory_space<semaphore_mem>>, %arg21: memref<!tpu.dma_semaphore, #tpu.memory_space<semaphore_mem>>) attributes {dimension_semantics = [#tpu.dimension_semantics<core_parallel>, #tpu.dimension_semantics<subcore_parallel>], iteration_bounds = array<i64: 2, 16>, scalar_prefetch = 0 : i64, scratch_operands = 13 : i64, tpu.core_type = #tpu.core_type<sc_vector_subcore>, window_params = [{transform_indices = #map}, {transform_indices = #map}, {transform_indices = #map1}, {transform_indices = #map1}, {transform_indices = #map1}, {transform_indices = #map1}, {transform_indices = #map}]} {
    %mul3A = arith.constant 2 : i32
    %mul3A_0 = arith.muli %arg1, %mul3A : i32
    %add3A = arith.addi %mul3A_0, %arg0 : i32
    %mul3A_1 = arith.constant 512 : i32
    %mul3A_2 = arith.muli %add3A, %mul3A_1 : i32
    "tpu.region"() ({
      %run_scoped3A = tpu.sem_alloc : memref<!tpu.dma_semaphore, #tpu.memory_space<semaphore_mem>>
      %dma_start3A_34 = tpu.memref_slice %arg2[%mul3A_2] : memref<16384xi32, #tpu.memory_space<hbm>> -> memref<512xi32, #tpu.memory_space<hbm>>
      %dma_start3A_35 = tpu.memref_slice %arg2[%mul3A_2] : memref<16384xi32, #tpu.memory_space<hbm>> -> memref<512xi32, #tpu.memory_space<hbm>>
      tpu.enqueue_dma source(%dma_start3A_35 : memref<512xi32, #tpu.memory_space<hbm>>) target(%arg9 : memref<512xi32, #tpu.memory_space<vmem>>) target_semaphore(%run_scoped3A : memref<!tpu.dma_semaphore, #tpu.memory_space<semaphore_mem>>)
      %dma_wait3A_36 = tpu.memref_slice %arg2[%mul3A_2] : memref<16384xi32, #tpu.memory_space<hbm>> -> memref<512xi32, #tpu.memory_space<hbm>>
      %dma_wait3A_37 = tpu.memref_slice %arg2[%mul3A_2] : memref<16384xi32, #tpu.memory_space<hbm>> -> memref<512xi32, #tpu.memory_space<hbm>>
      tpu.wait_dma2 semaphore(%run_scoped3A : memref<!tpu.dma_semaphore, #tpu.memory_space<semaphore_mem>>) src(%dma_wait3A_37 : memref<512xi32, #tpu.memory_space<hbm>>) dst(%arg9 : memref<512xi32, #tpu.memory_space<vmem>>)
      tpu.yield
    }) : () -> ()
    "tpu.region"() ({
      %run_scoped3A = tpu.sem_alloc : memref<!tpu.dma_semaphore, #tpu.memory_space<semaphore_mem>>
      %dma_start3A_34 = tpu.memref_slice %arg3[%mul3A_2] : memref<16384xi32, #tpu.memory_space<hbm>> -> memref<512xi32, #tpu.memory_space<hbm>>
      %dma_start3A_35 = tpu.memref_slice %arg3[%mul3A_2] : memref<16384xi32, #tpu.memory_space<hbm>> -> memref<512xi32, #tpu.memory_space<hbm>>
      tpu.enqueue_dma source(%dma_start3A_35 : memref<512xi32, #tpu.memory_space<hbm>>) target(%arg10 : memref<512xi32, #tpu.memory_space<vmem>>) target_semaphore(%run_scoped3A : memref<!tpu.dma_semaphore, #tpu.memory_space<semaphore_mem>>)
      %dma_wait3A_36 = tpu.memref_slice %arg3[%mul3A_2] : memref<16384xi32, #tpu.memory_space<hbm>> -> memref<512xi32, #tpu.memory_space<hbm>>
      %dma_wait3A_37 = tpu.memref_slice %arg3[%mul3A_2] : memref<16384xi32, #tpu.memory_space<hbm>> -> memref<512xi32, #tpu.memory_space<hbm>>
      tpu.wait_dma2 semaphore(%run_scoped3A : memref<!tpu.dma_semaphore, #tpu.memory_space<semaphore_mem>>) src(%dma_wait3A_37 : memref<512xi32, #tpu.memory_space<hbm>>) dst(%arg10 : memref<512xi32, #tpu.memory_space<vmem>>)
      tpu.yield
    }) : () -> ()
    %scan3A = arith.constant 0 : i32
    %scan3A_3 = arith.constant 32 : i32
    %scan3A_4 = arith.addi %scan3A, %scan3A_3 : i32
    %scan3A_5 = arith.constant 1 : i32
    scf.for %scan3A_34 = %scan3A to %scan3A_4 step %scan3A_5  : i32 {
      %mul3A_35 = arith.constant 1 : i32
      %mul3A_36 = arith.muli %scan3A_34, %mul3A_35 : i32
      %add3A_37 = arith.constant 0 : i32
      %add3A_38 = arith.addi %add3A_37, %mul3A_36 : i32
      %mul3A_39 = arith.constant 16 : i32
      %mul3A_40 = arith.muli %add3A_38, %mul3A_39 : i32
      %get3A = arith.index_cast %mul3A_40 : i32 to index
      %get3A_41 = tpu.vector_load %arg9[%get3A] {strides = array<i32>} : memref<512xi32, #tpu.memory_space<vmem>>, vector<16xi32>,
      %shift_right_logical3A = arith.constant 4 : i32
      %shift_right_logical3A_42 = vector.broadcast %shift_right_logical3A : i32 to vector<16xi32>
      %shift_right_logical3A_43 = arith.shrui %get3A_41, %shift_right_logical3A_42 : vector<16xi32>
      %swap3A = arith.index_cast %mul3A_40 : i32 to index
      %swap3A_44 = tpu.vector_load %arg11[%swap3A] {strides = array<i32>} : memref<512xi32, #tpu.memory_space<vmem>>, vector<16xi32>,
      tpu.vector_store %arg11[%swap3A], %shift_right_logical3A_43 {strides = array<i32>} : memref<512xi32, #tpu.memory_space<vmem>>, vector<16xi32>,
      %get3A_45 = arith.index_cast %mul3A_40 : i32 to index
      %get3A_46 = tpu.vector_load %arg10[%get3A_45] {strides = array<i32>} : memref<512xi32, #tpu.memory_space<vmem>>, vector<16xi32>,
      %shift_right_logical3A_47 = arith.constant 4 : i32
      %shift_right_logical3A_48 = vector.broadcast %shift_right_logical3A_47 : i32 to vector<16xi32>
      %shift_right_logical3A_49 = arith.shrui %get3A_46, %shift_right_logical3A_48 : vector<16xi32>
      %swap3A_50 = arith.index_cast %mul3A_40 : i32 to index
      %swap3A_51 = tpu.vector_load %arg12[%swap3A_50] {strides = array<i32>} : memref<512xi32, #tpu.memory_space<vmem>>, vector<16xi32>,
      tpu.vector_store %arg12[%swap3A_50], %shift_right_logical3A_49 {strides = array<i32>} : memref<512xi32, #tpu.memory_space<vmem>>, vector<16xi32>,
    }
    %scan3A_6 = arith.constant 32 : i32
    %dma_start3A = arith.constant 0 : i32
    %dma_start3A_7 = arith.constant 0 : i32
    %dma_start3A_8 = tpu.memref_slice %arg4[%dma_start3A, %dma_start3A_7] : memref<1000000x32xf32, #tpu.memory_space<hbm>> -> memref<1000000x32xf32, #tpu.memory_space<hbm>>
    tpu.enqueue_indirect_dma source(%dma_start3A_8 : memref<1000000x32xf32, #tpu.memory_space<hbm>>) target(%arg13 : memref<512x32xf32, #tpu.memory_space<vmem>>) offsets(%arg9 : memref<512xi32, #tpu.memory_space<vmem>>) semaphore(%arg18 : memref<!tpu.dma_semaphore, #tpu.memory_space<semaphore_mem>>)
    %dma_start3A_9 = arith.constant 0 : i32
    %dma_start3A_10 = arith.constant 0 : i32
    %dma_start3A_11 = tpu.memref_slice %arg5[%dma_start3A_9, %dma_start3A_10] : memref<1000000x32xf32, #tpu.memory_space<hbm>> -> memref<1000000x32xf32, #tpu.memory_space<hbm>>
    tpu.enqueue_indirect_dma source(%dma_start3A_11 : memref<1000000x32xf32, #tpu.memory_space<hbm>>) target(%arg14 : memref<512x32xf32, #tpu.memory_space<vmem>>) offsets(%arg10 : memref<512xi32, #tpu.memory_space<vmem>>) semaphore(%arg19 : memref<!tpu.dma_semaphore, #tpu.memory_space<semaphore_mem>>)
    %dma_start3A_12 = arith.constant 0 : i32
    %dma_start3A_13 = arith.constant 0 : i32
    %dma_start3A_14 = tpu.memref_slice %arg6[%dma_start3A_12, %dma_start3A_13] : memref<62500x16xf32, #tpu.memory_space<hbm>> -> memref<62500x16xf32, #tpu.memory_space<hbm>>
    tpu.enqueue_indirect_dma source(%dma_start3A_14 : memref<62500x16xf32, #tpu.memory_space<hbm>>) target(%arg15 : memref<512x16xf32, #tpu.memory_space<vmem>>) offsets(%arg11 : memref<512xi32, #tpu.memory_space<vmem>>) semaphore(%arg20 : memref<!tpu.dma_semaphore, #tpu.memory_space<semaphore_mem>>)
    %dma_start3A_15 = arith.constant 0 : i32
    %dma_start3A_16 = arith.constant 0 : i32
    %dma_start3A_17 = tpu.memref_slice %arg7[%dma_start3A_15, %dma_start3A_16] : memref<62500x16xf32, #tpu.memory_space<hbm>> -> memref<62500x16xf32, #tpu.memory_space<hbm>>
    tpu.enqueue_indirect_dma source(%dma_start3A_17 : memref<62500x16xf32, #tpu.memory_space<hbm>>) target(%arg16 : memref<512x16xf32, #tpu.memory_space<vmem>>) offsets(%arg12 : memref<512xi32, #tpu.memory_space<vmem>>) semaphore(%arg21 : memref<!tpu.dma_semaphore, #tpu.memory_space<semaphore_mem>>)
    %dma_wait3A = arith.constant 0 : i32
    %dma_wait3A_18 = arith.constant 0 : i32
    %dma_wait3A_19 = tpu.memref_slice %arg4[%dma_wait3A, %dma_wait3A_18] : memref<1000000x32xf32, #tpu.memory_space<hbm>> -> memref<1000000x32xf32, #tpu.memory_space<hbm>>
    tpu.wait_indirect_dma semaphore(%arg18 : memref<!tpu.dma_semaphore, #tpu.memory_space<semaphore_mem>>) src(%dma_wait3A_19 : memref<1000000x32xf32, #tpu.memory_space<hbm>>) dst(%arg13 : memref<512x32xf32, #tpu.memory_space<vmem>>)
    %dma_wait3A_20 = arith.constant 0 : i32
    %dma_wait3A_21 = arith.constant 0 : i32
    %dma_wait3A_22 = tpu.memref_slice %arg5[%dma_wait3A_20, %dma_wait3A_21] : memref<1000000x32xf32, #tpu.memory_space<hbm>> -> memref<1000000x32xf32, #tpu.memory_space<hbm>>
    tpu.wait_indirect_dma semaphore(%arg19 : memref<!tpu.dma_semaphore, #tpu.memory_space<semaphore_mem>>) src(%dma_wait3A_22 : memref<1000000x32xf32, #tpu.memory_space<hbm>>) dst(%arg14 : memref<512x32xf32, #tpu.memory_space<vmem>>)
    %dma_wait3A_23 = arith.constant 0 : i32
    %dma_wait3A_24 = arith.constant 0 : i32
    %dma_wait3A_25 = tpu.memref_slice %arg6[%dma_wait3A_23, %dma_wait3A_24] : memref<62500x16xf32, #tpu.memory_space<hbm>> -> memref<62500x16xf32, #tpu.memory_space<hbm>>
    tpu.wait_indirect_dma semaphore(%arg20 : memref<!tpu.dma_semaphore, #tpu.memory_space<semaphore_mem>>) src(%dma_wait3A_25 : memref<62500x16xf32, #tpu.memory_space<hbm>>) dst(%arg15 : memref<512x16xf32, #tpu.memory_space<vmem>>)
    %dma_wait3A_26 = arith.constant 0 : i32
    %dma_wait3A_27 = arith.constant 0 : i32
    %dma_wait3A_28 = tpu.memref_slice %arg7[%dma_wait3A_26, %dma_wait3A_27] : memref<62500x16xf32, #tpu.memory_space<hbm>> -> memref<62500x16xf32, #tpu.memory_space<hbm>>
    tpu.wait_indirect_dma semaphore(%arg21 : memref<!tpu.dma_semaphore, #tpu.memory_space<semaphore_mem>>) src(%dma_wait3A_28 : memref<62500x16xf32, #tpu.memory_space<hbm>>) dst(%arg16 : memref<512x16xf32, #tpu.memory_space<vmem>>)
    %iota3A = tpu.iota {dimensions = array<i32: 0>} : vector<16xi32>
    %scan3A_29 = arith.constant 0 : i32
    %scan3A_30 = arith.constant 32 : i32
    %scan3A_31 = arith.addi %scan3A_29, %scan3A_30 : i32
    %scan3A_32 = arith.constant 1 : i32
    scf.for %scan3A_34 = %scan3A_29 to %scan3A_31 step %scan3A_32  : i32 {
      %mul3A_35 = arith.constant 1 : i32
      %mul3A_36 = arith.muli %scan3A_34, %mul3A_35 : i32
      %add3A_37 = arith.constant 0 : i32
      %add3A_38 = arith.addi %add3A_37, %mul3A_36 : i32
      %mul3A_39 = arith.constant 16 : i32
      %mul3A_40 = arith.muli %add3A_38, %mul3A_39 : i32
      %add3A_41 = vector.broadcast %mul3A_40 : i32 to vector<16xi32>
      %add3A_42 = arith.addi %iota3A, %add3A_41 : vector<16xi32>
      %get3A = arith.index_cast %mul3A_40 : i32 to index
      %get3A_43 = tpu.vector_load %arg9[%get3A] {strides = array<i32>} : memref<512xi32, #tpu.memory_space<vmem>>, vector<16xi32>,
      %and3A = arith.constant 15 : i32
      %and3A_44 = vector.broadcast %and3A : i32 to vector<16xi32>
      %and3A_45 = arith.andi %get3A_43, %and3A_44 : vector<16xi32>
      %gather3A = tpu.vector_load_idx %arg15[%add3A_42, %and3A_45] : memref<512x16xf32, #tpu.memory_space<vmem>>[vector<16xi32>, vector<16xi32>], vector<16xf32>,
      %get3A_46 = arith.index_cast %mul3A_40 : i32 to index
      %get3A_47 = tpu.vector_load %arg10[%get3A_46] {strides = array<i32>} : memref<512xi32, #tpu.memory_space<vmem>>, vector<16xi32>,
      %and3A_48 = arith.constant 15 : i32
      %and3A_49 = vector.broadcast %and3A_48 : i32 to vector<16xi32>
      %and3A_50 = arith.andi %get3A_47, %and3A_49 : vector<16xi32>
      %gather3A_51 = tpu.vector_load_idx %arg16[%add3A_42, %and3A_50] : memref<512x16xf32, #tpu.memory_space<vmem>>[vector<16xi32>, vector<16xi32>], vector<16xf32>,
      %broadcast_in_dim3A = arith.constant 0.000000e+00 : f32
      %broadcast_in_dim3A_52 = vector.broadcast %broadcast_in_dim3A : f32 to vector<16xf32>
      %add3A_53 = arith.constant 0 : i32
      %add3A_54 = arith.addi %mul3A_40, %add3A_53 : i32
      %get3A_55 = arith.index_cast %add3A_54 : i32 to index
      %get3A_56 = arith.constant 0 : index
      %get3A_57 = tpu.vector_load %arg13[%get3A_55, %get3A_56] {strides = array<i32>} : memref<512x32xf32, #tpu.memory_space<vmem>>, vector<16xf32>,
      %get3A_58 = arith.index_cast %add3A_54 : i32 to index
      %get3A_59 = arith.constant 0 : index
      %get3A_60 = tpu.vector_load %arg14[%get3A_58, %get3A_59] {strides = array<i32>} : memref<512x32xf32, #tpu.memory_space<vmem>>, vector<16xf32>,
      %mul3A_61 = arith.mulf %get3A_57, %get3A_60 : vector<16xf32>
      %get3A_62 = arith.index_cast %add3A_54 : i32 to index
      %get3A_63 = arith.constant 16 : index
      %get3A_64 = tpu.vector_load %arg13[%get3A_62, %get3A_63] {strides = array<i32>} : memref<512x32xf32, #tpu.memory_space<vmem>>, vector<16xf32>,
      %get3A_65 = arith.index_cast %add3A_54 : i32 to index
      %get3A_66 = arith.constant 16 : index
      %get3A_67 = tpu.vector_load %arg14[%get3A_65, %get3A_66] {strides = array<i32>} : memref<512x32xf32, #tpu.memory_space<vmem>>, vector<16xf32>,
      %mul3A_68 = arith.mulf %get3A_64, %get3A_67 : vector<16xf32>
      %add3A_69 = arith.addf %mul3A_61, %mul3A_68 : vector<16xf32>
      %reduce_sum3A = arith.constant true
      %reduce_sum3A_70 = vector.broadcast %reduce_sum3A : i1 to vector<16xi1>
      %reduce_sum3A_71 = tpu.scan <sum>, %add3A_69 masked %reduce_sum3A_70 : vector<16xf32>, vector<16xi1> -> vector<16xf32>
      %reduce_sum3A_72 = vector.extract %reduce_sum3A_71[15] : f32 from vector<16xf32>
      %eq3A = arith.constant 0 : i32
      %eq3A_73 = vector.broadcast %eq3A : i32 to vector<16xi32>
      %eq3A_74 = arith.cmpi eq, %iota3A, %eq3A_73 : vector<16xi32>
      %broadcast_in_dim3A_75 = vector.broadcast %reduce_sum3A_72 : f32 to vector<16xf32>
      %select_n3A = arith.select %eq3A_74, %broadcast_in_dim3A_75, %broadcast_in_dim3A_52 : vector<16xi1>, vector<16xf32>
      %add3A_76 = arith.constant 1 : i32
      %add3A_77 = arith.addi %mul3A_40, %add3A_76 : i32
      %get3A_78 = arith.index_cast %add3A_77 : i32 to index
      %get3A_79 = arith.constant 0 : index
      %get3A_80 = tpu.vector_load %arg13[%get3A_78, %get3A_79] {strides = array<i32>} : memref<512x32xf32, #tpu.memory_space<vmem>>, vector<16xf32>,
      %get3A_81 = arith.index_cast %add3A_77 : i32 to index
      %get3A_82 = arith.constant 0 : index
      %get3A_83 = tpu.vector_load %arg14[%get3A_81, %get3A_82] {strides = array<i32>} : memref<512x32xf32, #tpu.memory_space<vmem>>, vector<16xf32>,
      %mul3A_84 = arith.mulf %get3A_80, %get3A_83 : vector<16xf32>
      %get3A_85 = arith.index_cast %add3A_77 : i32 to index
      %get3A_86 = arith.constant 16 : index
      %get3A_87 = tpu.vector_load %arg13[%get3A_85, %get3A_86] {strides = array<i32>} : memref<512x32xf32, #tpu.memory_space<vmem>>, vector<16xf32>,
      %get3A_88 = arith.index_cast %add3A_77 : i32 to index
      %get3A_89 = arith.constant 16 : index
      %get3A_90 = tpu.vector_load %arg14[%get3A_88, %get3A_89] {strides = array<i32>} : memref<512x32xf32, #tpu.memory_space<vmem>>, vector<16xf32>,
      %mul3A_91 = arith.mulf %get3A_87, %get3A_90 : vector<16xf32>
      %add3A_92 = arith.addf %mul3A_84, %mul3A_91 : vector<16xf32>
      %reduce_sum3A_93 = arith.constant true
      %reduce_sum3A_94 = vector.broadcast %reduce_sum3A_93 : i1 to vector<16xi1>
      %reduce_sum3A_95 = tpu.scan <sum>, %add3A_92 masked %reduce_sum3A_94 : vector<16xf32>, vector<16xi1> -> vector<16xf32>
      %reduce_sum3A_96 = vector.extract %reduce_sum3A_95[15] : f32 from vector<16xf32>
      %eq3A_97 = arith.constant 1 : i32
      %eq3A_98 = vector.broadcast %eq3A_97 : i32 to vector<16xi32>
      %eq3A_99 = arith.cmpi eq, %iota3A, %eq3A_98 : vector<16xi32>
      %broadcast_in_dim3A_100 = vector.broadcast %reduce_sum3A_96 : f32 to vector<16xf32>
      %select_n3A_101 = arith.select %eq3A_99, %broadcast_in_dim3A_100, %select_n3A : vector<16xi1>, vector<16xf32>
      %add3A_102 = arith.constant 2 : i32
      %add3A_103 = arith.addi %mul3A_40, %add3A_102 : i32
      %get3A_104 = arith.index_cast %add3A_103 : i32 to index
      %get3A_105 = arith.constant 0 : index
      %get3A_106 = tpu.vector_load %arg13[%get3A_104, %get3A_105] {strides = array<i32>} : memref<512x32xf32, #tpu.memory_space<vmem>>, vector<16xf32>,
      %get3A_107 = arith.index_cast %add3A_103 : i32 to index
      %get3A_108 = arith.constant 0 : index
      %get3A_109 = tpu.vector_load %arg14[%get3A_107, %get3A_108] {strides = array<i32>} : memref<512x32xf32, #tpu.memory_space<vmem>>, vector<16xf32>,
      %mul3A_110 = arith.mulf %get3A_106, %get3A_109 : vector<16xf32>
      %get3A_111 = arith.index_cast %add3A_103 : i32 to index
      %get3A_112 = arith.constant 16 : index
      %get3A_113 = tpu.vector_load %arg13[%get3A_111, %get3A_112] {strides = array<i32>} : memref<512x32xf32, #tpu.memory_space<vmem>>, vector<16xf32>,
      %get3A_114 = arith.index_cast %add3A_103 : i32 to index
      %get3A_115 = arith.constant 16 : index
      %get3A_116 = tpu.vector_load %arg14[%get3A_114, %get3A_115] {strides = array<i32>} : memref<512x32xf32, #tpu.memory_space<vmem>>, vector<16xf32>,
      %mul3A_117 = arith.mulf %get3A_113, %get3A_116 : vector<16xf32>
      %add3A_118 = arith.addf %mul3A_110, %mul3A_117 : vector<16xf32>
      %reduce_sum3A_119 = arith.constant true
      %reduce_sum3A_120 = vector.broadcast %reduce_sum3A_119 : i1 to vector<16xi1>
      %reduce_sum3A_121 = tpu.scan <sum>, %add3A_118 masked %reduce_sum3A_120 : vector<16xf32>, vector<16xi1> -> vector<16xf32>
      %reduce_sum3A_122 = vector.extract %reduce_sum3A_121[15] : f32 from vector<16xf32>
      %eq3A_123 = arith.constant 2 : i32
      %eq3A_124 = vector.broadcast %eq3A_123 : i32 to vector<16xi32>
      %eq3A_125 = arith.cmpi eq, %iota3A, %eq3A_124 : vector<16xi32>
      %broadcast_in_dim3A_126 = vector.broadcast %reduce_sum3A_122 : f32 to vector<16xf32>
      %select_n3A_127 = arith.select %eq3A_125, %broadcast_in_dim3A_126, %select_n3A_101 : vector<16xi1>, vector<16xf32>
      %add3A_128 = arith.constant 3 : i32
      %add3A_129 = arith.addi %mul3A_40, %add3A_128 : i32
      %get3A_130 = arith.index_cast %add3A_129 : i32 to index
      %get3A_131 = arith.constant 0 : index
      %get3A_132 = tpu.vector_load %arg13[%get3A_130, %get3A_131] {strides = array<i32>} : memref<512x32xf32, #tpu.memory_space<vmem>>, vector<16xf32>,
      %get3A_133 = arith.index_cast %add3A_129 : i32 to index
      %get3A_134 = arith.constant 0 : index
      %get3A_135 = tpu.vector_load %arg14[%get3A_133, %get3A_134] {strides = array<i32>} : memref<512x32xf32, #tpu.memory_space<vmem>>, vector<16xf32>,
      %mul3A_136 = arith.mulf %get3A_132, %get3A_135 : vector<16xf32>
      %get3A_137 = arith.index_cast %add3A_129 : i32 to index
      %get3A_138 = arith.constant 16 : index
      %get3A_139 = tpu.vector_load %arg13[%get3A_137, %get3A_138] {strides = array<i32>} : memref<512x32xf32, #tpu.memory_space<vmem>>, vector<16xf32>,
      %get3A_140 = arith.index_cast %add3A_129 : i32 to index
      %get3A_141 = arith.constant 16 : index
      %get3A_142 = tpu.vector_load %arg14[%get3A_140, %get3A_141] {strides = array<i32>} : memref<512x32xf32, #tpu.memory_space<vmem>>, vector<16xf32>,
      %mul3A_143 = arith.mulf %get3A_139, %get3A_142 : vector<16xf32>
      %add3A_144 = arith.addf %mul3A_136, %mul3A_143 : vector<16xf32>
      %reduce_sum3A_145 = arith.constant true
      %reduce_sum3A_146 = vector.broadcast %reduce_sum3A_145 : i1 to vector<16xi1>
      %reduce_sum3A_147 = tpu.scan <sum>, %add3A_144 masked %reduce_sum3A_146 : vector<16xf32>, vector<16xi1> -> vector<16xf32>
      %reduce_sum3A_148 = vector.extract %reduce_sum3A_147[15] : f32 from vector<16xf32>
      %eq3A_149 = arith.constant 3 : i32
      %eq3A_150 = vector.broadcast %eq3A_149 : i32 to vector<16xi32>
      %eq3A_151 = arith.cmpi eq, %iota3A, %eq3A_150 : vector<16xi32>
      %broadcast_in_dim3A_152 = vector.broadcast %reduce_sum3A_148 : f32 to vector<16xf32>
      %select_n3A_153 = arith.select %eq3A_151, %broadcast_in_dim3A_152, %select_n3A_127 : vector<16xi1>, vector<16xf32>
      %add3A_154 = arith.constant 4 : i32
      %add3A_155 = arith.addi %mul3A_40, %add3A_154 : i32
      %get3A_156 = arith.index_cast %add3A_155 : i32 to index
      %get3A_157 = arith.constant 0 : index
      %get3A_158 = tpu.vector_load %arg13[%get3A_156, %get3A_157] {strides = array<i32>} : memref<512x32xf32, #tpu.memory_space<vmem>>, vector<16xf32>,
      %get3A_159 = arith.index_cast %add3A_155 : i32 to index
      %get3A_160 = arith.constant 0 : index
      %get3A_161 = tpu.vector_load %arg14[%get3A_159, %get3A_160] {strides = array<i32>} : memref<512x32xf32, #tpu.memory_space<vmem>>, vector<16xf32>,
      %mul3A_162 = arith.mulf %get3A_158, %get3A_161 : vector<16xf32>
      %get3A_163 = arith.index_cast %add3A_155 : i32 to index
      %get3A_164 = arith.constant 16 : index
      %get3A_165 = tpu.vector_load %arg13[%get3A_163, %get3A_164] {strides = array<i32>} : memref<512x32xf32, #tpu.memory_space<vmem>>, vector<16xf32>,
      %get3A_166 = arith.index_cast %add3A_155 : i32 to index
      %get3A_167 = arith.constant 16 : index
      %get3A_168 = tpu.vector_load %arg14[%get3A_166, %get3A_167] {strides = array<i32>} : memref<512x32xf32, #tpu.memory_space<vmem>>, vector<16xf32>,
      %mul3A_169 = arith.mulf %get3A_165, %get3A_168 : vector<16xf32>
      %add3A_170 = arith.addf %mul3A_162, %mul3A_169 : vector<16xf32>
      %reduce_sum3A_171 = arith.constant true
      %reduce_sum3A_172 = vector.broadcast %reduce_sum3A_171 : i1 to vector<16xi1>
      %reduce_sum3A_173 = tpu.scan <sum>, %add3A_170 masked %reduce_sum3A_172 : vector<16xf32>, vector<16xi1> -> vector<16xf32>
      %reduce_sum3A_174 = vector.extract %reduce_sum3A_173[15] : f32 from vector<16xf32>
      %eq3A_175 = arith.constant 4 : i32
      %eq3A_176 = vector.broadcast %eq3A_175 : i32 to vector<16xi32>
      %eq3A_177 = arith.cmpi eq, %iota3A, %eq3A_176 : vector<16xi32>
      %broadcast_in_dim3A_178 = vector.broadcast %reduce_sum3A_174 : f32 to vector<16xf32>
      %select_n3A_179 = arith.select %eq3A_177, %broadcast_in_dim3A_178, %select_n3A_153 : vector<16xi1>, vector<16xf32>
      %add3A_180 = arith.constant 5 : i32
      %add3A_181 = arith.addi %mul3A_40, %add3A_180 : i32
      %get3A_182 = arith.index_cast %add3A_181 : i32 to index
      %get3A_183 = arith.constant 0 : index
      %get3A_184 = tpu.vector_load %arg13[%get3A_182, %get3A_183] {strides = array<i32>} : memref<512x32xf32, #tpu.memory_space<vmem>>, vector<16xf32>,
      %get3A_185 = arith.index_cast %add3A_181 : i32 to index
      %get3A_186 = arith.constant 0 : index
      %get3A_187 = tpu.vector_load %arg14[%get3A_185, %get3A_186] {strides = array<i32>} : memref<512x32xf32, #tpu.memory_space<vmem>>, vector<16xf32>,
      %mul3A_188 = arith.mulf %get3A_184, %get3A_187 : vector<16xf32>
      %get3A_189 = arith.index_cast %add3A_181 : i32 to index
      %get3A_190 = arith.constant 16 : index
      %get3A_191 = tpu.vector_load %arg13[%get3A_189, %get3A_190] {strides = array<i32>} : memref<512x32xf32, #tpu.memory_space<vmem>>, vector<16xf32>,
      %get3A_192 = arith.index_cast %add3A_181 : i32 to index
      %get3A_193 = arith.constant 16 : index
      %get3A_194 = tpu.vector_load %arg14[%get3A_192, %get3A_193] {strides = array<i32>} : memref<512x32xf32, #tpu.memory_space<vmem>>, vector<16xf32>,
      %mul3A_195 = arith.mulf %get3A_191, %get3A_194 : vector<16xf32>
      %add3A_196 = arith.addf %mul3A_188, %mul3A_195 : vector<16xf32>
      %reduce_sum3A_197 = arith.constant true
      %reduce_sum3A_198 = vector.broadcast %reduce_sum3A_197 : i1 to vector<16xi1>
      %reduce_sum3A_199 = tpu.scan <sum>, %add3A_196 masked %reduce_sum3A_198 : vector<16xf32>, vector<16xi1> -> vector<16xf32>
      %reduce_sum3A_200 = vector.extract %reduce_sum3A_199[15] : f32 from vector<16xf32>
      %eq3A_201 = arith.constant 5 : i32
      %eq3A_202 = vector.broadcast %eq3A_201 : i32 to vector<16xi32>
      %eq3A_203 = arith.cmpi eq, %iota3A, %eq3A_202 : vector<16xi32>
      %broadcast_in_dim3A_204 = vector.broadcast %reduce_sum3A_200 : f32 to vector<16xf32>
      %select_n3A_205 = arith.select %eq3A_203, %broadcast_in_dim3A_204, %select_n3A_179 : vector<16xi1>, vector<16xf32>
      %add3A_206 = arith.constant 6 : i32
      %add3A_207 = arith.addi %mul3A_40, %add3A_206 : i32
      %get3A_208 = arith.index_cast %add3A_207 : i32 to index
      %get3A_209 = arith.constant 0 : index
      %get3A_210 = tpu.vector_load %arg13[%get3A_208, %get3A_209] {strides = array<i32>} : memref<512x32xf32, #tpu.memory_space<vmem>>, vector<16xf32>,
      %get3A_211 = arith.index_cast %add3A_207 : i32 to index
      %get3A_212 = arith.constant 0 : index
      %get3A_213 = tpu.vector_load %arg14[%get3A_211, %get3A_212] {strides = array<i32>} : memref<512x32xf32, #tpu.memory_space<vmem>>, vector<16xf32>,
      %mul3A_214 = arith.mulf %get3A_210, %get3A_213 : vector<16xf32>
      %get3A_215 = arith.index_cast %add3A_207 : i32 to index
      %get3A_216 = arith.constant 16 : index
      %get3A_217 = tpu.vector_load %arg13[%get3A_215, %get3A_216] {strides = array<i32>} : memref<512x32xf32, #tpu.memory_space<vmem>>, vector<16xf32>,
      %get3A_218 = arith.index_cast %add3A_207 : i32 to index
      %get3A_219 = arith.constant 16 : index
      %get3A_220 = tpu.vector_load %arg14[%get3A_218, %get3A_219] {strides = array<i32>} : memref<512x32xf32, #tpu.memory_space<vmem>>, vector<16xf32>,
      %mul3A_221 = arith.mulf %get3A_217, %get3A_220 : vector<16xf32>
      %add3A_222 = arith.addf %mul3A_214, %mul3A_221 : vector<16xf32>
      %reduce_sum3A_223 = arith.constant true
      %reduce_sum3A_224 = vector.broadcast %reduce_sum3A_223 : i1 to vector<16xi1>
      %reduce_sum3A_225 = tpu.scan <sum>, %add3A_222 masked %reduce_sum3A_224 : vector<16xf32>, vector<16xi1> -> vector<16xf32>
      %reduce_sum3A_226 = vector.extract %reduce_sum3A_225[15] : f32 from vector<16xf32>
      %eq3A_227 = arith.constant 6 : i32
      %eq3A_228 = vector.broadcast %eq3A_227 : i32 to vector<16xi32>
      %eq3A_229 = arith.cmpi eq, %iota3A, %eq3A_228 : vector<16xi32>
      %broadcast_in_dim3A_230 = vector.broadcast %reduce_sum3A_226 : f32 to vector<16xf32>
      %select_n3A_231 = arith.select %eq3A_229, %broadcast_in_dim3A_230, %select_n3A_205 : vector<16xi1>, vector<16xf32>
      %add3A_232 = arith.constant 7 : i32
      %add3A_233 = arith.addi %mul3A_40, %add3A_232 : i32
      %get3A_234 = arith.index_cast %add3A_233 : i32 to index
      %get3A_235 = arith.constant 0 : index
      %get3A_236 = tpu.vector_load %arg13[%get3A_234, %get3A_235] {strides = array<i32>} : memref<512x32xf32, #tpu.memory_space<vmem>>, vector<16xf32>,
      %get3A_237 = arith.index_cast %add3A_233 : i32 to index
      %get3A_238 = arith.constant 0 : index
      %get3A_239 = tpu.vector_load %arg14[%get3A_237, %get3A_238] {strides = array<i32>} : memref<512x32xf32, #tpu.memory_space<vmem>>, vector<16xf32>,
      %mul3A_240 = arith.mulf %get3A_236, %get3A_239 : vector<16xf32>
      %get3A_241 = arith.index_cast %add3A_233 : i32 to index
      %get3A_242 = arith.constant 16 : index
      %get3A_243 = tpu.vector_load %arg13[%get3A_241, %get3A_242] {strides = array<i32>} : memref<512x32xf32, #tpu.memory_space<vmem>>, vector<16xf32>,
      %get3A_244 = arith.index_cast %add3A_233 : i32 to index
      %get3A_245 = arith.constant 16 : index
      %get3A_246 = tpu.vector_load %arg14[%get3A_244, %get3A_245] {strides = array<i32>} : memref<512x32xf32, #tpu.memory_space<vmem>>, vector<16xf32>,
      %mul3A_247 = arith.mulf %get3A_243, %get3A_246 : vector<16xf32>
      %add3A_248 = arith.addf %mul3A_240, %mul3A_247 : vector<16xf32>
      %reduce_sum3A_249 = arith.constant true
      %reduce_sum3A_250 = vector.broadcast %reduce_sum3A_249 : i1 to vector<16xi1>
      %reduce_sum3A_251 = tpu.scan <sum>, %add3A_248 masked %reduce_sum3A_250 : vector<16xf32>, vector<16xi1> -> vector<16xf32>
      %reduce_sum3A_252 = vector.extract %reduce_sum3A_251[15] : f32 from vector<16xf32>
      %eq3A_253 = arith.constant 7 : i32
      %eq3A_254 = vector.broadcast %eq3A_253 : i32 to vector<16xi32>
      %eq3A_255 = arith.cmpi eq, %iota3A, %eq3A_254 : vector<16xi32>
      %broadcast_in_dim3A_256 = vector.broadcast %reduce_sum3A_252 : f32 to vector<16xf32>
      %select_n3A_257 = arith.select %eq3A_255, %broadcast_in_dim3A_256, %select_n3A_231 : vector<16xi1>, vector<16xf32>
      %add3A_258 = arith.constant 8 : i32
      %add3A_259 = arith.addi %mul3A_40, %add3A_258 : i32
      %get3A_260 = arith.index_cast %add3A_259 : i32 to index
      %get3A_261 = arith.constant 0 : index
      %get3A_262 = tpu.vector_load %arg13[%get3A_260, %get3A_261] {strides = array<i32>} : memref<512x32xf32, #tpu.memory_space<vmem>>, vector<16xf32>,
      %get3A_263 = arith.index_cast %add3A_259 : i32 to index
      %get3A_264 = arith.constant 0 : index
      %get3A_265 = tpu.vector_load %arg14[%get3A_263, %get3A_264] {strides = array<i32>} : memref<512x32xf32, #tpu.memory_space<vmem>>, vector<16xf32>,
      %mul3A_266 = arith.mulf %get3A_262, %get3A_265 : vector<16xf32>
      %get3A_267 = arith.index_cast %add3A_259 : i32 to index
      %get3A_268 = arith.constant 16 : index
      %get3A_269 = tpu.vector_load %arg13[%get3A_267, %get3A_268] {strides = array<i32>} : memref<512x32xf32, #tpu.memory_space<vmem>>, vector<16xf32>,
      %get3A_270 = arith.index_cast %add3A_259 : i32 to index
      %get3A_271 = arith.constant 16 : index
      %get3A_272 = tpu.vector_load %arg14[%get3A_270, %get3A_271] {strides = array<i32>} : memref<512x32xf32, #tpu.memory_space<vmem>>, vector<16xf32>,
      %mul3A_273 = arith.mulf %get3A_269, %get3A_272 : vector<16xf32>
      %add3A_274 = arith.addf %mul3A_266, %mul3A_273 : vector<16xf32>
      %reduce_sum3A_275 = arith.constant true
      %reduce_sum3A_276 = vector.broadcast %reduce_sum3A_275 : i1 to vector<16xi1>
      %reduce_sum3A_277 = tpu.scan <sum>, %add3A_274 masked %reduce_sum3A_276 : vector<16xf32>, vector<16xi1> -> vector<16xf32>
      %reduce_sum3A_278 = vector.extract %reduce_sum3A_277[15] : f32 from vector<16xf32>
      %eq3A_279 = arith.constant 8 : i32
      %eq3A_280 = vector.broadcast %eq3A_279 : i32 to vector<16xi32>
      %eq3A_281 = arith.cmpi eq, %iota3A, %eq3A_280 : vector<16xi32>
      %broadcast_in_dim3A_282 = vector.broadcast %reduce_sum3A_278 : f32 to vector<16xf32>
      %select_n3A_283 = arith.select %eq3A_281, %broadcast_in_dim3A_282, %select_n3A_257 : vector<16xi1>, vector<16xf32>
      %add3A_284 = arith.constant 9 : i32
      %add3A_285 = arith.addi %mul3A_40, %add3A_284 : i32
      %get3A_286 = arith.index_cast %add3A_285 : i32 to index
      %get3A_287 = arith.constant 0 : index
      %get3A_288 = tpu.vector_load %arg13[%get3A_286, %get3A_287] {strides = array<i32>} : memref<512x32xf32, #tpu.memory_space<vmem>>, vector<16xf32>,
      %get3A_289 = arith.index_cast %add3A_285 : i32 to index
      %get3A_290 = arith.constant 0 : index
      %get3A_291 = tpu.vector_load %arg14[%get3A_289, %get3A_290] {strides = array<i32>} : memref<512x32xf32, #tpu.memory_space<vmem>>, vector<16xf32>,
      %mul3A_292 = arith.mulf %get3A_288, %get3A_291 : vector<16xf32>
      %get3A_293 = arith.index_cast %add3A_285 : i32 to index
      %get3A_294 = arith.constant 16 : index
      %get3A_295 = tpu.vector_load %arg13[%get3A_293, %get3A_294] {strides = array<i32>} : memref<512x32xf32, #tpu.memory_space<vmem>>, vector<16xf32>,
      %get3A_296 = arith.index_cast %add3A_285 : i32 to index
      %get3A_297 = arith.constant 16 : index
      %get3A_298 = tpu.vector_load %arg14[%get3A_296, %get3A_297] {strides = array<i32>} : memref<512x32xf32, #tpu.memory_space<vmem>>, vector<16xf32>,
      %mul3A_299 = arith.mulf %get3A_295, %get3A_298 : vector<16xf32>
      %add3A_300 = arith.addf %mul3A_292, %mul3A_299 : vector<16xf32>
      %reduce_sum3A_301 = arith.constant true
      %reduce_sum3A_302 = vector.broadcast %reduce_sum3A_301 : i1 to vector<16xi1>
      %reduce_sum3A_303 = tpu.scan <sum>, %add3A_300 masked %reduce_sum3A_302 : vector<16xf32>, vector<16xi1> -> vector<16xf32>
      %reduce_sum3A_304 = vector.extract %reduce_sum3A_303[15] : f32 from vector<16xf32>
      %eq3A_305 = arith.constant 9 : i32
      %eq3A_306 = vector.broadcast %eq3A_305 : i32 to vector<16xi32>
      %eq3A_307 = arith.cmpi eq, %iota3A, %eq3A_306 : vector<16xi32>
      %broadcast_in_dim3A_308 = vector.broadcast %reduce_sum3A_304 : f32 to vector<16xf32>
      %select_n3A_309 = arith.select %eq3A_307, %broadcast_in_dim3A_308, %select_n3A_283 : vector<16xi1>, vector<16xf32>
      %add3A_310 = arith.constant 10 : i32
      %add3A_311 = arith.addi %mul3A_40, %add3A_310 : i32
      %get3A_312 = arith.index_cast %add3A_311 : i32 to index
      %get3A_313 = arith.constant 0 : index
      %get3A_314 = tpu.vector_load %arg13[%get3A_312, %get3A_313] {strides = array<i32>} : memref<512x32xf32, #tpu.memory_space<vmem>>, vector<16xf32>,
      %get3A_315 = arith.index_cast %add3A_311 : i32 to index
      %get3A_316 = arith.constant 0 : index
      %get3A_317 = tpu.vector_load %arg14[%get3A_315, %get3A_316] {strides = array<i32>} : memref<512x32xf32, #tpu.memory_space<vmem>>, vector<16xf32>,
      %mul3A_318 = arith.mulf %get3A_314, %get3A_317 : vector<16xf32>
      %get3A_319 = arith.index_cast %add3A_311 : i32 to index
      %get3A_320 = arith.constant 16 : index
      %get3A_321 = tpu.vector_load %arg13[%get3A_319, %get3A_320] {strides = array<i32>} : memref<512x32xf32, #tpu.memory_space<vmem>>, vector<16xf32>,
      %get3A_322 = arith.index_cast %add3A_311 : i32 to index
      %get3A_323 = arith.constant 16 : index
      %get3A_324 = tpu.vector_load %arg14[%get3A_322, %get3A_323] {strides = array<i32>} : memref<512x32xf32, #tpu.memory_space<vmem>>, vector<16xf32>,
      %mul3A_325 = arith.mulf %get3A_321, %get3A_324 : vector<16xf32>
      %add3A_326 = arith.addf %mul3A_318, %mul3A_325 : vector<16xf32>
      %reduce_sum3A_327 = arith.constant true
      %reduce_sum3A_328 = vector.broadcast %reduce_sum3A_327 : i1 to vector<16xi1>
      %reduce_sum3A_329 = tpu.scan <sum>, %add3A_326 masked %reduce_sum3A_328 : vector<16xf32>, vector<16xi1> -> vector<16xf32>
      %reduce_sum3A_330 = vector.extract %reduce_sum3A_329[15] : f32 from vector<16xf32>
      %eq3A_331 = arith.constant 10 : i32
      %eq3A_332 = vector.broadcast %eq3A_331 : i32 to vector<16xi32>
      %eq3A_333 = arith.cmpi eq, %iota3A, %eq3A_332 : vector<16xi32>
      %broadcast_in_dim3A_334 = vector.broadcast %reduce_sum3A_330 : f32 to vector<16xf32>
      %select_n3A_335 = arith.select %eq3A_333, %broadcast_in_dim3A_334, %select_n3A_309 : vector<16xi1>, vector<16xf32>
      %add3A_336 = arith.constant 11 : i32
      %add3A_337 = arith.addi %mul3A_40, %add3A_336 : i32
      %get3A_338 = arith.index_cast %add3A_337 : i32 to index
      %get3A_339 = arith.constant 0 : index
      %get3A_340 = tpu.vector_load %arg13[%get3A_338, %get3A_339] {strides = array<i32>} : memref<512x32xf32, #tpu.memory_space<vmem>>, vector<16xf32>,
      %get3A_341 = arith.index_cast %add3A_337 : i32 to index
      %get3A_342 = arith.constant 0 : index
      %get3A_343 = tpu.vector_load %arg14[%get3A_341, %get3A_342] {strides = array<i32>} : memref<512x32xf32, #tpu.memory_space<vmem>>, vector<16xf32>,
      %mul3A_344 = arith.mulf %get3A_340, %get3A_343 : vector<16xf32>
      %get3A_345 = arith.index_cast %add3A_337 : i32 to index
      %get3A_346 = arith.constant 16 : index
      %get3A_347 = tpu.vector_load %arg13[%get3A_345, %get3A_346] {strides = array<i32>} : memref<512x32xf32, #tpu.memory_space<vmem>>, vector<16xf32>,
      %get3A_348 = arith.index_cast %add3A_337 : i32 to index
      %get3A_349 = arith.constant 16 : index
      %get3A_350 = tpu.vector_load %arg14[%get3A_348, %get3A_349] {strides = array<i32>} : memref<512x32xf32, #tpu.memory_space<vmem>>, vector<16xf32>,
      %mul3A_351 = arith.mulf %get3A_347, %get3A_350 : vector<16xf32>
      %add3A_352 = arith.addf %mul3A_344, %mul3A_351 : vector<16xf32>
      %reduce_sum3A_353 = arith.constant true
      %reduce_sum3A_354 = vector.broadcast %reduce_sum3A_353 : i1 to vector<16xi1>
      %reduce_sum3A_355 = tpu.scan <sum>, %add3A_352 masked %reduce_sum3A_354 : vector<16xf32>, vector<16xi1> -> vector<16xf32>
      %reduce_sum3A_356 = vector.extract %reduce_sum3A_355[15] : f32 from vector<16xf32>
      %eq3A_357 = arith.constant 11 : i32
      %eq3A_358 = vector.broadcast %eq3A_357 : i32 to vector<16xi32>
      %eq3A_359 = arith.cmpi eq, %iota3A, %eq3A_358 : vector<16xi32>
      %broadcast_in_dim3A_360 = vector.broadcast %reduce_sum3A_356 : f32 to vector<16xf32>
      %select_n3A_361 = arith.select %eq3A_359, %broadcast_in_dim3A_360, %select_n3A_335 : vector<16xi1>, vector<16xf32>
      %add3A_362 = arith.constant 12 : i32
      %add3A_363 = arith.addi %mul3A_40, %add3A_362 : i32
      %get3A_364 = arith.index_cast %add3A_363 : i32 to index
      %get3A_365 = arith.constant 0 : index
      %get3A_366 = tpu.vector_load %arg13[%get3A_364, %get3A_365] {strides = array<i32>} : memref<512x32xf32, #tpu.memory_space<vmem>>, vector<16xf32>,
      %get3A_367 = arith.index_cast %add3A_363 : i32 to index
      %get3A_368 = arith.constant 0 : index
      %get3A_369 = tpu.vector_load %arg14[%get3A_367, %get3A_368] {strides = array<i32>} : memref<512x32xf32, #tpu.memory_space<vmem>>, vector<16xf32>,
      %mul3A_370 = arith.mulf %get3A_366, %get3A_369 : vector<16xf32>
      %get3A_371 = arith.index_cast %add3A_363 : i32 to index
      %get3A_372 = arith.constant 16 : index
      %get3A_373 = tpu.vector_load %arg13[%get3A_371, %get3A_372] {strides = array<i32>} : memref<512x32xf32, #tpu.memory_space<vmem>>, vector<16xf32>,
      %get3A_374 = arith.index_cast %add3A_363 : i32 to index
      %get3A_375 = arith.constant 16 : index
      %get3A_376 = tpu.vector_load %arg14[%get3A_374, %get3A_375] {strides = array<i32>} : memref<512x32xf32, #tpu.memory_space<vmem>>, vector<16xf32>,
      %mul3A_377 = arith.mulf %get3A_373, %get3A_376 : vector<16xf32>
      %add3A_378 = arith.addf %mul3A_370, %mul3A_377 : vector<16xf32>
      %reduce_sum3A_379 = arith.constant true
      %reduce_sum3A_380 = vector.broadcast %reduce_sum3A_379 : i1 to vector<16xi1>
      %reduce_sum3A_381 = tpu.scan <sum>, %add3A_378 masked %reduce_sum3A_380 : vector<16xf32>, vector<16xi1> -> vector<16xf32>
      %reduce_sum3A_382 = vector.extract %reduce_sum3A_381[15] : f32 from vector<16xf32>
      %eq3A_383 = arith.constant 12 : i32
      %eq3A_384 = vector.broadcast %eq3A_383 : i32 to vector<16xi32>
      %eq3A_385 = arith.cmpi eq, %iota3A, %eq3A_384 : vector<16xi32>
      %broadcast_in_dim3A_386 = vector.broadcast %reduce_sum3A_382 : f32 to vector<16xf32>
      %select_n3A_387 = arith.select %eq3A_385, %broadcast_in_dim3A_386, %select_n3A_361 : vector<16xi1>, vector<16xf32>
      %add3A_388 = arith.constant 13 : i32
      %add3A_389 = arith.addi %mul3A_40, %add3A_388 : i32
      %get3A_390 = arith.index_cast %add3A_389 : i32 to index
      %get3A_391 = arith.constant 0 : index
      %get3A_392 = tpu.vector_load %arg13[%get3A_390, %get3A_391] {strides = array<i32>} : memref<512x32xf32, #tpu.memory_space<vmem>>, vector<16xf32>,
      %get3A_393 = arith.index_cast %add3A_389 : i32 to index
      %get3A_394 = arith.constant 0 : index
      %get3A_395 = tpu.vector_load %arg14[%get3A_393, %get3A_394] {strides = array<i32>} : memref<512x32xf32, #tpu.memory_space<vmem>>, vector<16xf32>,
      %mul3A_396 = arith.mulf %get3A_392, %get3A_395 : vector<16xf32>
      %get3A_397 = arith.index_cast %add3A_389 : i32 to index
      %get3A_398 = arith.constant 16 : index
      %get3A_399 = tpu.vector_load %arg13[%get3A_397, %get3A_398] {strides = array<i32>} : memref<512x32xf32, #tpu.memory_space<vmem>>, vector<16xf32>,
      %get3A_400 = arith.index_cast %add3A_389 : i32 to index
      %get3A_401 = arith.constant 16 : index
      %get3A_402 = tpu.vector_load %arg14[%get3A_400, %get3A_401] {strides = array<i32>} : memref<512x32xf32, #tpu.memory_space<vmem>>, vector<16xf32>,
      %mul3A_403 = arith.mulf %get3A_399, %get3A_402 : vector<16xf32>
      %add3A_404 = arith.addf %mul3A_396, %mul3A_403 : vector<16xf32>
      %reduce_sum3A_405 = arith.constant true
      %reduce_sum3A_406 = vector.broadcast %reduce_sum3A_405 : i1 to vector<16xi1>
      %reduce_sum3A_407 = tpu.scan <sum>, %add3A_404 masked %reduce_sum3A_406 : vector<16xf32>, vector<16xi1> -> vector<16xf32>
      %reduce_sum3A_408 = vector.extract %reduce_sum3A_407[15] : f32 from vector<16xf32>
      %eq3A_409 = arith.constant 13 : i32
      %eq3A_410 = vector.broadcast %eq3A_409 : i32 to vector<16xi32>
      %eq3A_411 = arith.cmpi eq, %iota3A, %eq3A_410 : vector<16xi32>
      %broadcast_in_dim3A_412 = vector.broadcast %reduce_sum3A_408 : f32 to vector<16xf32>
      %select_n3A_413 = arith.select %eq3A_411, %broadcast_in_dim3A_412, %select_n3A_387 : vector<16xi1>, vector<16xf32>
      %add3A_414 = arith.constant 14 : i32
      %add3A_415 = arith.addi %mul3A_40, %add3A_414 : i32
      %get3A_416 = arith.index_cast %add3A_415 : i32 to index
      %get3A_417 = arith.constant 0 : index
      %get3A_418 = tpu.vector_load %arg13[%get3A_416, %get3A_417] {strides = array<i32>} : memref<512x32xf32, #tpu.memory_space<vmem>>, vector<16xf32>,
      %get3A_419 = arith.index_cast %add3A_415 : i32 to index
      %get3A_420 = arith.constant 0 : index
      %get3A_421 = tpu.vector_load %arg14[%get3A_419, %get3A_420] {strides = array<i32>} : memref<512x32xf32, #tpu.memory_space<vmem>>, vector<16xf32>,
      %mul3A_422 = arith.mulf %get3A_418, %get3A_421 : vector<16xf32>
      %get3A_423 = arith.index_cast %add3A_415 : i32 to index
      %get3A_424 = arith.constant 16 : index
      %get3A_425 = tpu.vector_load %arg13[%get3A_423, %get3A_424] {strides = array<i32>} : memref<512x32xf32, #tpu.memory_space<vmem>>, vector<16xf32>,
      %get3A_426 = arith.index_cast %add3A_415 : i32 to index
      %get3A_427 = arith.constant 16 : index
      %get3A_428 = tpu.vector_load %arg14[%get3A_426, %get3A_427] {strides = array<i32>} : memref<512x32xf32, #tpu.memory_space<vmem>>, vector<16xf32>,
      %mul3A_429 = arith.mulf %get3A_425, %get3A_428 : vector<16xf32>
      %add3A_430 = arith.addf %mul3A_422, %mul3A_429 : vector<16xf32>
      %reduce_sum3A_431 = arith.constant true
      %reduce_sum3A_432 = vector.broadcast %reduce_sum3A_431 : i1 to vector<16xi1>
      %reduce_sum3A_433 = tpu.scan <sum>, %add3A_430 masked %reduce_sum3A_432 : vector<16xf32>, vector<16xi1> -> vector<16xf32>
      %reduce_sum3A_434 = vector.extract %reduce_sum3A_433[15] : f32 from vector<16xf32>
      %eq3A_435 = arith.constant 14 : i32
      %eq3A_436 = vector.broadcast %eq3A_435 : i32 to vector<16xi32>
      %eq3A_437 = arith.cmpi eq, %iota3A, %eq3A_436 : vector<16xi32>
      %broadcast_in_dim3A_438 = vector.broadcast %reduce_sum3A_434 : f32 to vector<16xf32>
      %select_n3A_439 = arith.select %eq3A_437, %broadcast_in_dim3A_438, %select_n3A_413 : vector<16xi1>, vector<16xf32>
      %add3A_440 = arith.constant 15 : i32
      %add3A_441 = arith.addi %mul3A_40, %add3A_440 : i32
      %get3A_442 = arith.index_cast %add3A_441 : i32 to index
      %get3A_443 = arith.constant 0 : index
      %get3A_444 = tpu.vector_load %arg13[%get3A_442, %get3A_443] {strides = array<i32>} : memref<512x32xf32, #tpu.memory_space<vmem>>, vector<16xf32>,
      %get3A_445 = arith.index_cast %add3A_441 : i32 to index
      %get3A_446 = arith.constant 0 : index
      %get3A_447 = tpu.vector_load %arg14[%get3A_445, %get3A_446] {strides = array<i32>} : memref<512x32xf32, #tpu.memory_space<vmem>>, vector<16xf32>,
      %mul3A_448 = arith.mulf %get3A_444, %get3A_447 : vector<16xf32>
      %get3A_449 = arith.index_cast %add3A_441 : i32 to index
      %get3A_450 = arith.constant 16 : index
      %get3A_451 = tpu.vector_load %arg13[%get3A_449, %get3A_450] {strides = array<i32>} : memref<512x32xf32, #tpu.memory_space<vmem>>, vector<16xf32>,
      %get3A_452 = arith.index_cast %add3A_441 : i32 to index
      %get3A_453 = arith.constant 16 : index
      %get3A_454 = tpu.vector_load %arg14[%get3A_452, %get3A_453] {strides = array<i32>} : memref<512x32xf32, #tpu.memory_space<vmem>>, vector<16xf32>,
      %mul3A_455 = arith.mulf %get3A_451, %get3A_454 : vector<16xf32>
      %add3A_456 = arith.addf %mul3A_448, %mul3A_455 : vector<16xf32>
      %reduce_sum3A_457 = arith.constant true
      %reduce_sum3A_458 = vector.broadcast %reduce_sum3A_457 : i1 to vector<16xi1>
      %reduce_sum3A_459 = tpu.scan <sum>, %add3A_456 masked %reduce_sum3A_458 : vector<16xf32>, vector<16xi1> -> vector<16xf32>
      %reduce_sum3A_460 = vector.extract %reduce_sum3A_459[15] : f32 from vector<16xf32>
      %eq3A_461 = arith.constant 15 : i32
      %eq3A_462 = vector.broadcast %eq3A_461 : i32 to vector<16xi32>
      %eq3A_463 = arith.cmpi eq, %iota3A, %eq3A_462 : vector<16xi32>
      %broadcast_in_dim3A_464 = vector.broadcast %reduce_sum3A_460 : f32 to vector<16xf32>
      %select_n3A_465 = arith.select %eq3A_463, %broadcast_in_dim3A_464, %select_n3A_439 : vector<16xi1>, vector<16xf32>
      %add3A_466 = arith.addf %select_n3A_465, %gather3A : vector<16xf32>
      %add3A_467 = arith.addf %add3A_466, %gather3A_51 : vector<16xf32>
      %swap3A = arith.index_cast %mul3A_40 : i32 to index
      %swap3A_468 = tpu.vector_load %arg17[%swap3A] {strides = array<i32>} : memref<512xf32, #tpu.memory_space<vmem>>, vector<16xf32>,
      tpu.vector_store %arg17[%swap3A], %add3A_467 {strides = array<i32>} : memref<512xf32, #tpu.memory_space<vmem>>, vector<16xf32>,
    }
    %scan3A_33 = arith.constant 32 : i32
    "tpu.region"() ({
      %run_scoped3A = tpu.sem_alloc : memref<!tpu.dma_semaphore, #tpu.memory_space<semaphore_mem>>
      %dma_start3A_34 = tpu.memref_slice %arg8[%mul3A_2] : memref<16384xf32, #tpu.memory_space<hbm>> -> memref<512xf32, #tpu.memory_space<hbm>>
      %dma_start3A_35 = tpu.memref_slice %arg8[%mul3A_2] : memref<16384xf32, #tpu.memory_space<hbm>> -> memref<512xf32, #tpu.memory_space<hbm>>
      tpu.enqueue_dma source(%arg17 : memref<512xf32, #tpu.memory_space<vmem>>) target(%dma_start3A_35 : memref<512xf32, #tpu.memory_space<hbm>>) target_semaphore(%run_scoped3A : memref<!tpu.dma_semaphore, #tpu.memory_space<semaphore_mem>>)
      %dma_wait3A_36 = tpu.memref_slice %arg8[%mul3A_2] : memref<16384xf32, #tpu.memory_space<hbm>> -> memref<512xf32, #tpu.memory_space<hbm>>
      %dma_wait3A_37 = tpu.memref_slice %arg8[%mul3A_2] : memref<16384xf32, #tpu.memory_space<hbm>> -> memref<512xf32, #tpu.memory_space<hbm>>
      tpu.wait_dma2 semaphore(%run_scoped3A : memref<!tpu.dma_semaphore, #tpu.memory_space<semaphore_mem>>) src(%arg17 : memref<512xf32, #tpu.memory_space<vmem>>) dst(%dma_wait3A_37 : memref<512xf32, #tpu.memory_space<hbm>>)
      tpu.yield
    }) : () -> ()
    return
  }
}

</mosaic_0001>

<sc_bundles>
// kernel: kernel.3.cloned.1.call-start
scs
__scs_entry_jumppad:
0x0: {  	(pc) =	sbr.rel $0x88, $3  }
0x1: {  	(tag) =	ssettag $0x0;
	lr =	simm.s32 $0x1  }
0x2: {  	[smem:$0x3F9B] =	sst lr;
	_ =	strace $0xD0000000  }
0x3: {  	_ = 	snop  }
0x4: {  	_ = 	snop  }
0x5: {  	_ = 	snop  }
0x6: {  	_ = 	snop  }
0x7: {  	_ = 	snop  }
__scs_overlays_trampoline_lowered:
0x8: {  	[smem:$0x3FAA] =	sst s0  }
0x9: {  	[smem:$0x3FAB] =	sst s1  }
0xa: {  	[smem:$0x3FAC] =	sst s2  }
0xb: {  	[smem:$0x3FAD] =	sst s3  }
0xc: {  	[smem:$0x3FAE] =	sst s4  }
0xd: {  	[smem:$0x3FAF] =	sst s5  }
0xe: {  	[smem:$0x3FB0] =	sst s6  }
0xf: {  	[smem:$0x3FB1] =	sst s7  }
0x10: {  	[smem:$0x3FB2] =	sst s8  }
0x11: {  	[smem:$0x3FB3] =	sst s9;
	s0 =	simm.s32 @!p0 $0x0  }
0x12: {  	s1 =	sld [smem:$0x3F99];
	s0 =	simm.s32 @p0 $0x1  }
0x13: {  	[smem:$0x3FB4] =	sst s0;
	s0 =	simm.s32 @!p1 $0x0  }
0x14: {  	s2 =	sld [smem:$0x3F98];
	s0 =	simm.s32 @p1 $0x1  }
0x15: {  	[smem:$0x3FB5] =	sst s0;
	s0 =	simm.s32 @!p2 $0x0  }
0x16: {  	s3 =	sld [smem:$0x3FDB];
	s0 =	simm.s32 @p2 $0x1  }
0x17: {  	s4 =	simm.s32 $0x1BF5;
	[smem:$0x3FB7] =	sst s0  }
0x18: {  	s0 =	sld [smem:$0x3F9A];
	_ =	swait.ge [sflag:s4], $0x0  }
0x19: {  	s7 =	sld [smem:$0x3F9B]  }
0x1a: {  	s8 =	sadd.s32 $0xFFFFE003, lr  }
0x1b: {  	s9 =	sadd.s32 $0xFFFFFEF7, lr;
	s5 =	simm.s32 $0xFFFFFFFF;
	p2 =	slt.u32 s8, $0xFFFFF086  }
0x1c: {  	p1 =	slt.u32 s9, $0xF7A;
	s5 =	simm.s32 @!p2 $0x0  }
0x1d: {  	s5 =	simm.s32 @p1 $0x1;
	p0 =	seq.s32 s7, s2  }
0x1e: {  	s7 =	smul.u32 @!p0 $0xF7A, s2;
	p2 =	seq.s32 @!p0 s5, $0x0  }
0x1f: {  	s9 =	smul.u32 $0xF7A, s1;
	s8 =	simm.s32 @!p0 $0x1BF5;
	p2 =	por !p2, p0  }
0x20: {  	[sflag:s8] =	ssyncset.s32 @!p0 $0xFFFFF086;
	s6 =	sadd.s32 @!p0 s3, s7;
	s7 =	simm.s32 @!p0 $0x108  }
0x21: {  	s3 =	sadd.s32 s3, s9;
	s6 =	sadd.s32 @!p0 $0x88, s6;
	s7 =	simm.s32 @p2 $0x1082  }
0x22: {  	[simem:s7], [sflag:s8] =	dma.local @!p0 [hbm:s6], $0xF7A  }
0x23: {  	s9 =	sor.u32 $0xD0000000, s2;
	s6 =	simm.s32 $0x108;
	_ =	swait.ge @!p0 [sflag:s8], $0x0  }
0x24: {  	s3 =	sadd.s32 $0x88, s3;
	s6 =	simm.s32 @!p1 $0x1082;
	[sflag:s4] =	ssyncset.s32 $0xFFFFF086  }
0x25: {  	[simem:s6], [sflag:s4] =	dma.local [hbm:s3], $0xF7A  }
0x26: {  	[smem:$0x3F9B] =	sst s1;
	(tag) =	ssettag s2;
	_ =	strace s9  }
0x27: {  	s1 =	sld [smem:$0x3FAB]  }
0x28: {  	s2 =	sld [smem:$0x3FAC]  }
0x29: {  	s4 =	sld [smem:$0x3FAE]  }
0x2a: {  	p0 =	seq.s32 s5, $0x0;
	s5 =	sld [smem:$0x3FAF]  }
0x2b: {  	s6 =	sld [smem:$0x3FB0]  }
0x2c: {  	s7 =	sld [smem:$0x3FB1]  }
0x2d: {  	s3 =	simm.s32 $0x108;
	s8 =	sld [smem:$0x3FB2]  }
0x2e: {  	s3 =	simm.s32 @!p0 $0x1082;
	s9 =	sld [smem:$0x3FB3]  }
0x2f: {  	lr =	sadd.s32 s0, s3;
	s0 =	sld [smem:$0x3FAA]  }
0x30: {  	s3 =	sld [smem:$0x3FAD]  }
0x31: {  	[smem:$0x3FB6] =	sst s10  }
0x32: {  	s10 =	sld [smem:$0x3FB4];
	_ =	sdelay $0x3  }
0x33: {  	p0 =	seq.s32 s10, $0x1;
	s10 =	sld [smem:$0x3FB6];
	_ =	sdelay $0x3  }
0x34: {  	[smem:$0x3FB6] =	sst s10  }
0x35: {  	s10 =	sld [smem:$0x3FB5];
	_ =	sdelay $0x3  }
0x36: {  	p1 =	seq.s32 s10, $0x1;
	s10 =	sld [smem:$0x3FB6];
	_ =	sdelay $0x3  }
0x37: {  	[smem:$0x3FB6] =	sst s10  }
0x38: {  	s10 =	sld [smem:$0x3FB7]  }
0x39: {  	_ = 	snop;
	(pc) =	sbr.ind lr, $3  }
0x3a: {  	_ = 	snop  }
0x3b: {  	_ = 	snop  }
0x3c: {  	p2 =	seq.s32 s10, $0x1;
	s10 =	sld [smem:$0x3FB6]  }
0x3d: {  	_ =	shalt  }
0x3e: {  	_ =	shalt  }
0x3f: {  	_ =	shalt  }
0x40: {  	_ =	shalt  }
0x41: {  	_ =	shalt  }
0x42: {  	_ =	shalt  }
0x43: {  	_ =	shalt  }
0x44: {  	_ =	shalt  }
0x45: {  	_ =	shalt  }
0x46: {  	_ =	shalt  }
0x47: {  	_ =	shalt  }
0x48: {  	_ =	shalt  }
0x49: {  	_ =	shalt  }
0x4a: {  	_ =	shalt  }
0x4b: {  	_ =	shalt  }
0x4c: {  	_ =	shalt  }
0x4d: {  	_ =	shalt  }
0x4e: {  	_ =	shalt  }
0x4f: {  	_ =	shalt  }
0x50: {  	_ =	shalt  }
0x51: {  	_ =	shalt  }
0x52: {  	_ =	shalt  }
0x53: {  	_ =	shalt  }
0x54: {  	_ =	shalt  }
0x55: {  	_ =	shalt  }
0x56: {  	_ =	shalt  }
0x57: {  	_ =	shalt  }
0x58: {  	_ =	shalt  }
0x59: {  	_ =	shalt  }
0x5a: {  	_ =	shalt  }
0x5b: {  	_ =	shalt  }
0x5c: {  	_ =	shalt  }
0x5d: {  	_ =	shalt  }
0x5e: {  	_ =	shalt  }
0x5f: {  	_ =	shalt  }
0x60: {  	_ =	shalt  }
0x61: {  	_ =	shalt  }
0x62: {  	_ =	shalt  }
0x63: {  	_ =	shalt  }
0x64: {  	_ =	shalt  }
0x65: {  	_ =	shalt  }
0x66: {  	_ =	shalt  }
0x67: {  	_ =	shalt  }
0x68: {  	_ =	shalt  }
0x69: {  	_ =	shalt  }
0x6a: {  	_ =	shalt  }
0x6b: {  	_ =	shalt  }
0x6c: {  	_ =	shalt  }
0x6d: {  	_ =	shalt  }
0x6e: {  	_ =	shalt  }
0x6f: {  	_ =	shalt  }
0x70: {  	_ =	shalt  }
0x71: {  	_ =	shalt  }
0x72: {  	_ =	shalt  }
0x73: {  	_ =	shalt  }
0x74: {  	_ =	shalt  }
0x75: {  	_ =	shalt  }
0x76: {  	_ =	shalt  }
0x77: {  	_ =	shalt  }
0x78: {  	_ =	shalt  }
0x79: {  	_ =	shalt  }
0x7a: {  	_ =	shalt  }
0x7b: {  	_ =	shalt  }
0x7c: {  	_ =	shalt  }
0x7d: {  	_ =	shalt  }
0x7e: {  	_ =	shalt  }
0x7f: {  	_ =	shalt  }
0x80: {  	_ =	shalt  }
0x81: {  	_ =	shalt  }
0x82: {  	_ =	shalt  }
0x83: {  	_ =	shalt  }
0x84: {  	_ =	shalt  }
0x85: {  	_ =	shalt  }
0x86: {  	_ =	shalt  }
0x87: {  	_ =	shalt  }
.Lfunc_end0:
.L_simem_size_0:
called_computation_lowered:
.L_overlay_start_0:
0x88: {  	s2 =	sld [smem:$0x3FD9]  }
0x89: {  	s3 =	sld [smem:$0x3FFE];
	_ =	sdelay $0x1  }
0x8a: {  	s1 =	srdreg.scid  }
0x8b: {  	s0 =	sand.u32 $0x1, s1  }
0x8c: {  	s17 =	sshll.u32 s0, $0xA;
	s2 =	sadd.s32 s3, s2  }
0x8d: {  	s2 =	sadd.s32 s2, s17  }
0x8e: {  	[smem:$0x3FC2] =	sst s2  }
0x8f: {  	_ = 	snop  }
0x90: {  	s2 =	sld [smem:$0x3FC9]  }
0x91: {  	s18 =	sld [smem:$0x3FC8]  }
0x92: {  	s4 =	sld [smem:$0x3FD0];
	(tm) =	ssettm $0x1  }
0x93: {  	s5 =	sld [smem:$0x3FFB];
	_ =	sdelay $0x3  }
0x94: {  	_ =	strace s5  }
0x95: {  	s5 =	sld [smem:$0x3FFC];
	_ =	sdelay $0x3  }
0x96: {  	_ =	strace s5  }
0x97: {  	s5 =	sld [smem:$0x3FFD];
	_ =	sdelay $0x3  }
0x98: {  	_ =	strace s5  }
0x99: {  	_ =	strace $0x8FFFFFFF  }
0x9a: {  	s19 =	sld [smem:$0x3FDB];
	_ =	sdelay $0x1  }
0x9b: {  	s6 =	simm.s32 $_scs_section_size  }
0x9c: {  	s7 =	simm.s32 $_size__tile_overlayer_lowered;
	s8 =	simm.s32 $_tile_overlayer_lowered  }
0x9d: {  	s22 =	simm.s32 $0x1BFF;
	s21 =	sshll.u32 s8, $0x1;
	s5 =	sadd.s32 s6, s19  }
0x9e: {  	s9 =	simm.s32 $0x0;
	s20 =	sshll.u32 s7, $0x1;
	s7 =	sadd.s32 s21, s5  }
0x9f: {  	[timem:s9], [sflag:s22] =	dma.local [hbm:s7], s20  }
0xa0: {  	_ =	swait.ge [sflag:s22], s20  }
0xa1: {  	s6 =	ssub.s32 $0x0, s20;
	[sflag:s22] =	ssyncset.done $0x0  }
0xa2: {  	[sflag:s22] =	ssyncadd.s32 s6;
	_ =	sdelay $0x1  }
0xa3: {  	s23 =	simm.s32 $0x1B8B  }
0xa4: {  	_ =	swait.ge [sflag:s23], $0x1  }
0xa5: {  	[sflag:s23] =	ssyncset.done $0x0  }
0xa6: {  	s25 =	simm.s32 $0x1B8E;
	s24 =	sld [smem:$0x3FFE];
	[sflag:s23] =	ssyncadd.s32 $0xFFFFFFFF  }
0xa7: {  	s26 =	simm.s32 $execute0_lowered;
	[smem:$0x3FD2] =	sst s25  }
0xa8: {  	s7 =	sshll.u32 s26, $0x1;
	_ =	strace $0x80000046;
	[dreg:$0x1] =	wrdreg $0xFFFFFFFF  }
0xa9: {  	s28 =	simm.s32 $_size_execute0_lowered;
	s5 =	sadd.s32 s5, s7;
	[dreg:$0x0] =	wrdreg $0x0  }
0xaa: {  	s7 =	sshll.u32 s28, $0x1;
	[dreg:$0x2] =	wrdreg s5  }
0xab: {  	[dreg:$0x3] =	wrdreg s7  }
0xac: {  	[dreg:$0x4] =	wrdreg $0xC0  }
0xad: {  	_ =	task [dreg:s9], $0x5FFFF  }
0xae: {  	[dreg:$0x1] =	wrdreg $0xFFFFFFFF  }
0xaf: {  	[dreg:$0x0] =	wrdreg $0x60  }
0xb0: {  	[dreg:$0x2] =	wrdreg s2  }
0xb1: {  	[dreg:$0x3] =	wrdreg s18  }
0xb2: {  	[dreg:$0x4] =	wrdreg s24  }
0xb3: {  	[dreg:$0x5] =	wrdreg s4  }
0xb4: {  	[dreg:$0x6] =	wrdreg $0x9  }
0xb5: {  	_ =	task.clear_ibuf [dreg:s9], $0x7FFFF;
	_ =	strace $0x90000046  }
0xb6: {  	s29 =	simm.s32 $0x9;
	_ =	strace $0x80000048  }
0xb7: {  	_ =	swait.ge [sflag:s29], $0x1  }
0xb8: {  	[sflag:s29] =	ssyncadd.s32 $0xFFFFFFFF  }
0xb9: {  	_ =	strace $0x90000048  }
0xba: {  	_ =	sfence  }
0xbb: {  	s30 =	sld [smem:$0x0];
	_ =	sdelay $0x2  }
0xbc: {  	s31 =	sshll.u32 s1, $0xD;
	s1 =	sshrl.u32 s1, $0x2  }
0xbd: {  	s3 =	sand.u32 $0x4000, s31;
	s1 =	sadd.s32 s1, s30  }
0xbe: {  	s0 =	sor.u32 s3, s0;
	s1 =	sshll.u32 s1, $0x11  }
0xbf: {  	s0 =	sor.u32 s1, s0  }
0xc0: {  	s0 =	sadd.s32 $0x8F2B, s0  }
0xc1: {  	[sflag:s0] =	ssyncadd.remote.s32 $0x1  }
0xc2: {  	_ =	sfence.sel $0xFFFF  }
0xc3: {  	[dreg:$0x0] =	wrdreg $0xFFFFFFFF;
	(pc) =	sbr.abs _section_cstart, $3  }
0xc4: {  	[dreg:$0x1] =	wrdreg $0xFFFFFFFF  }
0xc5: {  	_ =	task.clear_ibuf [dreg:s9], $0x2FFFF;
	_ =	strace $0x9FFFFFFF  }
0xc6: {  	(tm) =	ssettm $0x7FFFFFFF  }
0xc7: {  	_ =	shalt  }
tec
execute0_lowered:
.L_overlay_start_1:
0x0: {  	(tag) =	ssettag $0x1  }
0x1: {  	s0 =	rddreg [dreg:$0x0]  }
0x2: {  	s8 =	rddreg [dreg:$0x1]  }
0x3: {  	s1 =	rddreg [dreg:$0x2]  }
0x4: {  	s9 =	rddreg [dreg:$0x3]  }
0x5: {  	s2 =	simm.s32 $0x0;
	s3 =	srdreg.scid;
	s13 =	simm.s32 $0x800  }
0x6: {  	s14 =	simm.s32 $0x4800;
	s15 =	simm.s32 $0x400;
	s16 =	simm.s32 $0x8800  }
0x7: {  	s17 =	simm.s32 $0x600;
	s18 =	simm.s32 $0xA800;
	s19 =	simm.s32 $0x1  }
0x8: {  	s20 =	simm.s32 $0x2;
	s21 =	simm.s32 $0x3;
	s22 =	simm.s32 $0x4  }
0x9: {  	s23 =	simm.s32 $0xC800;
	s24 =	simm.s32 $0x0;
	[smem:$0x7FF] =	sst s2  }
0xa: {  	v0 =	vlaneseq.u32;
	vm0 =	vmmov $0x1;
	s4 =	sadd.s32 $0x1312E00, s1;
	s6 =	sand.u32 $0x1, s3;
	s5 =	sadd.s32 $0xF42400, s1  }
0xb: {  	vm1 =	vmmov $0x3;
	vm2 =	vmmov $0x7;
	vm3 =	vmmov $0xf;
	s3 =	stileid.u32;
	_ =	strace $0x80000047;
	s7 =	ssub.s32 $0x2, s6  }
0xc: {  	vm4 =	vmmov $0x1f;
	vm5 =	vmmov $0x3f;
	vm6 =	vmmov $0x7f;
	s11 =	sshll.u32 s3, $0x7;
	s12 =	sshll.u32 s6, $0x6;
	s6 =	sadd.s32 $0x1EA00, s1  }
0xd: {  	vm7 =	vmmov $0xff;
	vm8 =	vmmov $0x1ff;
	vm9 =	vmmov $0x3ff;
	s10 =	sshrl.u32 s7, $0x1;
	s11 =	sor.u32 s12, s11;
	s12 =	simm.s32 $0x200  }
0xe: {  	vm10 =	vmmov $0x7ff;
	vm11 =	vmmov $0xfff;
	vm12 =	vmmov $0x1fff;
	s10 =	ssub.s32 s7, s10;
	s7 =	sadd.s32 s0, s11;
	s8 =	sadd.s32 s8, s11  }
0xf: {  	vm13 =	vmmov $0x3fff;
	vm14 =	vmmov $0x7fff;
	v0 =	vmul.u32 $0x10, v0;
	s9 =	sadd.s32 s9, s11;
	s11 =	simm.s32 $0x5;
	s10 =	smax.u32 s10, $0x1  }
.LBB2_1:
0x10: {  	[tilespmem:s2], [sflag:$0x5] =	stream.linear.gather [hbm4b:s7+s2], $0x200, $0x38;
	[tilespmem:$0xCA00] =	vst v63  }
0x11: {  	_ =	swait.ge [sflag:s11], $0x200  }
0x12: {  	[sflag:s11] =	ssyncset.done $0x0  }
0x13: {  	[sflag:s11] =	ssyncadd.s32 $0xFFFFFE00  }
0x14: {  	[tilespmem:s12], [sflag:$0x5] =	stream.linear.gather [hbm4b:s8+s2], $0x200, $0x38;
	[tilespmem:$0xCA00] =	vst v63  }
0x15: {  	_ =	swait.ge [sflag:s11], $0x200  }
0x16: {  	[sflag:s11] =	ssyncset.done $0x0  }
0x17: {  	s0 =	simm.s32 $0x0;
	[sflag:s11] =	ssyncadd.s32 $0xFFFFFE00  }
0x18: {  	v1 =	vld [tilespmem:s0+$0x200]  }
0x19: {  	s25 =	simm.s32 $0x40;
	v2 =	vld [tilespmem:s0+$0x0]  }
.LBB2_2:
0x1a: {  	p0 =	sne.s32 s25, $0x7C0  }
.Ltmp0:
0x1b: {  	_ = 	snop;
	(pc) =	sbr.rel @p0 .LBB2_2-.Ltmp0, $4  }
0x1c: {  	_ = 	snop  }
0x1d: {  	s26 =	sshra.s32 s25, $0x2;
	s25 =	sadd.s32 $0x40, s25;
	v3 =	vshrl.u32 v1, $0x4  }
0x1e: {  	v1 =	vld [tilespmem:s26+$0x200];
	v4 =	vshrl.u32 v2, $0x4;
	[tilespmem:s0+$0x600] =	vst v3  }
0x1f: {  	v2 =	vld [tilespmem:s26+$0x0];
	[tilespmem:s0+$0x400] =	vst v4;
	s0 =	smov.u32 s26  }
0x20: {  	_ =	sdelay $0x2  }
0x21: {  	v1 =	vshrl.u32 v1, $0x4  }
0x22: {  	v2 =	vshrl.u32 v2, $0x4;
	[tilespmem:s0+$0x600] =	vst v1  }
0x23: {  	s25 =	simm.s32 $0x200;
	s26 =	simm.s32 $0x0;
	[tilespmem:s0+$0x400] =	vst v2  }
0x24: {  	[tilespmem:s13], [sflag:$0x1] =	stream.indirect.gather [hbm4b:s4+s25], $0x20, s26, s25, $0xb8;
	[tilespmem:$0xCA00] =	vst v63  }
0x25: {  	_ = 	snop  }
0x26: {  	[tilespmem:s14], [sflag:$0x2] =	stream.indirect.gather [hbm4b:s5+s25], $0x20, s25, s25, $0xb8;
	[tilespmem:$0xCA00] =	vst v63  }
0x27: {  	_ = 	snop  }
0x28: {  	[tilespmem:s16], [sflag:$0x3] =	stream.indirect.gather [hbm4b:s6+s25], $0x10, s15, s25, $0xb8;
	[tilespmem:$0xCA00] =	vst v63  }
0x29: {  	_ = 	snop  }
0x2a: {  	[tilespmem:s18], [sflag:$0x4] =	stream.indirect.gather [hbm4b:s1+s25], $0x10, s17, s25, $0xb8;
	[tilespmem:$0xCA00] =	vst v63  }
0x2b: {  	_ =	swait.ge [sflag:s19], $0x4000  }
0x2c: {  	[sflag:s19] =	ssyncset.done $0x0  }
0x2d: {  	[sflag:s19] =	ssyncadd.s32 $0xFFFFC000  }
0x2e: {  	_ =	swait.ge [sflag:s20], $0x4000  }
0x2f: {  	[sflag:s20] =	ssyncset.done $0x0  }
0x30: {  	[sflag:s20] =	ssyncadd.s32 $0xFFFFC000  }
0x31: {  	_ =	swait.ge [sflag:s21], $0x2000  }
0x32: {  	[sflag:s21] =	ssyncset.done $0x0  }
0x33: {  	[sflag:s21] =	ssyncadd.s32 $0xFFFFE000  }
0x34: {  	_ =	swait.ge [sflag:s22], $0x2000  }
0x35: {  	[sflag:s22] =	ssyncset.done $0x0  }
0x36: {  	s28 =	simm.s32 $0x900;
	[sflag:s22] =	ssyncadd.s32 $0xFFFFE000  }
0x37: {  	s0 =	simm.s32 $0x4900;
	v1 =	vld [tilespmem:s28+$0xC0]  }
0x38: {  	v2 =	vld [tilespmem:s0+$0xC0]  }
0x39: {  	v3 =	vld [tilespmem:s28+$0xD0]  }
0x3a: {  	v4 =	vld [tilespmem:s0+$0xD0]  }
0x3b: {  	v5 =	vld [tilespmem:s28+$0xA0]  }
0x3c: {  	v6 =	vld [tilespmem:s28+$0x80]  }
0x3d: {  	v7 =	vld [tilespmem:s0+$0x80]  }
0x3e: {  	v8 =	vld [tilespmem:s28+$0x90]  }
0x3f: {  	v9 =	vld [tilespmem:s0+$0x90]  }
0x40: {  	v10 =	vld [tilespmem:s28+$0x60]  }
0x41: {  	v11 =	vld [tilespmem:s0+$0x60]  }
0x42: {  	v12 =	vld [tilespmem:s28+$0x70]  }
0x43: {  	v13 =	vld [tilespmem:s0+$0x70]  }
0x44: {  	v14 =	vld [tilespmem:s28+$0x40]  }
0x45: {  	v15 =	vld [tilespmem:s28+$0x20]  }
0x46: {  	v16 =	vld [tilespmem:s0+$0x20]  }
0x47: {  	v17 =	vld [tilespmem:s28+$0x30]  }
0x48: {  	v18 =	vld [tilespmem:s0+$0x30]  }
0x49: {  	v19 =	vld [tilespmem:s28+$0x0]  }
0x4a: {  	v20 =	vld [tilespmem:s0+$0x0]  }
0x4b: {  	v21 =	vld [tilespmem:s28+$0x10]  }
0x4c: {  	v22 =	vld [tilespmem:s0+$0x10]  }
0x4d: {  	v23 =	vld [tilespmem:s28+$0xFFFFFFE0]  }
0x4e: {  	v24 =	vld [tilespmem:s28+$0xFFFFFFC0]  }
0x4f: {  	v25 =	vld [tilespmem:s0+$0xFFFFFFC0]  }
0x50: {  	v26 =	vld [tilespmem:s28+$0xFFFFFFD0]  }
0x51: {  	v27 =	vld [tilespmem:s0+$0xFFFFFFD0]  }
0x52: {  	v28 =	vld [tilespmem:s28+$0xFFFFFFA0]  }
0x53: {  	v29 =	vld [tilespmem:s0+$0xFFFFFFA0]  }
0x54: {  	v30 =	vld [tilespmem:s28+$0xFFFFFFB0]  }
0x55: {  	v31 =	vld [tilespmem:s0+$0xFFFFFFB0]  }
0x56: {  	v32 =	vld [tilespmem:s28+$0xFFFFFF80]  }
0x57: {  	v33 =	vld [tilespmem:s28+$0xFFFFFF60]  }
0x58: {  	v34 =	vld [tilespmem:s0+$0xFFFFFF60]  }
0x59: {  	v35 =	vld [tilespmem:s28+$0xFFFFFF70]  }
0x5a: {  	v36 =	vld [tilespmem:s0+$0xFFFFFF70]  }
0x5b: {  	v37 =	vld [tilespmem:s28+$0xFFFFFF40]  }
0x5c: {  	v38 =	vld [tilespmem:s0+$0xFFFFFF40]  }
0x5d: {  	v39 =	vld [tilespmem:s28+$0xFFFFFF50]  }
0x5e: {  	v40 =	vld [tilespmem:s0+$0xFFFFFF50]  }
0x5f: {  	v41 =	vld [tilespmem:s28+$0xFFFFFF00]  }
0x60: {  	v42 =	vld [tilespmem:s0+$0xFFFFFF00]  }
0x61: {  	v1 =	vmul.f32 v2, v1;
	v2 =	vmul.f32 v4, v3;
	v3 =	vld [tilespmem:s28+$0xFFFFFF10]  }
0x62: {  	v4 =	vmul.f32 v7, v6;
	v6 =	vmul.f32 v9, v8;
	v7 =	vld [tilespmem:s0+$0xFFFFFF10]  }
0x63: {  	v8 =	vmul.f32 v13, v12;
	v9 =	vld [tilespmem:s28+$0xFFFFFF20];
	v1 =	vadd.f32 v2, v1;
	v2 =	vmul.f32 v11, v10  }
0x64: {  	v12 =	vld [tilespmem:s28+$0xFFFFFF30];
	v4 =	vadd.f32 v6, v4;
	v6 =	vmul.f32 v16, v15;
	v10 =	vmul.f32 v18, v17  }
0x65: {  	v13 =	vld [tilespmem:s0+$0xFFFFFF30];
	(xrf2) =	vadd.scan.msk.f32 $0xffff, v1;
	v1 =	vadd.f32 v8, v2;
	v2 =	vmul.f32 v20, v19;
	v8 =	vmul.f32 v22, v21  }
0x66: {  	v11 =	vld [tilespmem:s0+$0xFFFFFF20];
	(xrf2) =	vadd.scan.msk.f32 $0xffff, v4;
	v4 =	vadd.f32 v10, v6;
	v6 =	vmul.f32 v25, v24;
	v10 =	vmul.f32 v27, v26  }
0x67: {  	v15 =	vld [tilespmem:s0+$0xFFFFFF80];
	(xrf2) =	vadd.scan.msk.f32 $0xffff, v1;
	v1 =	vadd.f32 v8, v2;
	v2 =	vmul.f32 v29, v28;
	v8 =	vmul.f32 v31, v30  }
0x68: {  	v16 =	vld [tilespmem:s28+$0xFFFFFF90];
	(xrf2) =	vadd.scan.msk.f32 $0xffff, v4;
	v4 =	vadd.f32 v10, v6;
	v6 =	vmul.f32 v34, v33;
	v10 =	vmul.f32 v36, v35  }
0x69: {  	v17 =	vld [tilespmem:s0+$0xFFFFFF90];
	(xrf2) =	vadd.scan.msk.f32 $0xffff, v1;
	v1 =	vadd.f32 v8, v2;
	v2 =	vmul.f32 v38, v37;
	v8 =	vmul.f32 v40, v39  }
0x6a: {  	v3 =	vmul.f32 v7, v3;
	v7 =	vld [tilespmem:s0+$0xFFFFFFE0];
	(xrf2) =	vadd.scan.msk.f32 $0xffff, v4;
	v4 =	vadd.f32 v10, v6;
	v6 =	vmul.f32 v42, v41  }
0x6b: {  	(xrf2) =	vadd.scan.msk.f32 $0xffff, v1;
	v1 =	vadd.f32 v8, v2;
	v2 =	vmul.f32 v11, v9;
	v8 =	vmul.f32 v13, v12;
	v9 =	vld [tilespmem:s28+$0xFFFFFFF0]  }
0x6c: {  	(xrf2) =	vadd.scan.msk.f32 $0xffff, v4;
	v3 =	vadd.f32 v3, v6;
	v4 =	vld [tilespmem:s0+$0xFFFFFFF0]  }
0x6d: {  	v11 =	vld [tilespmem:s0+$0x50];
	(xrf2) =	vadd.scan.msk.f32 $0xffff, v1;
	v1 =	vadd.f32 v8, v2  }
0x6e: {  	v6 =	vmul.f32 v17, v16;
	v2 =	vld [tilespmem:s0+$0x40];
	(xrf2) =	vadd.scan.msk.f32 $0xffff, v3;
	v3 =	vmul.f32 v15, v32  }
0x6f: {  	v8 =	vld [tilespmem:s28+$0x50]  }
0x70: {  	v15 =	vld [tilespmem:s0+$0xB0];
	v10, _, _ =	vpop (xrf2);
	v3 =	vadd.f32 v6, v3  }
0x71: {  	v7 =	vmul.f32 v7, v23;
	(xrf2) =	vadd.scan.msk.f32 $0xffff, v1;
	v6 =	vld [tilespmem:s0+$0xA0];
	v1, _, _ =	vpop (xrf2);
	v4 =	vmul.f32 v4, v9  }
0x72: {  	v9 =	vld [tilespmem:s28+$0xB0];
	v12, _, _ =	vpop (xrf2)  }
0x73: {  	v13, _, _ =	vpop (xrf2);
	v4 =	vadd.f32 v4, v7  }
0x74: {  	(xrf2) =	vadd.scan.msk.f32 $0xffff, v3;
	v8 =	vmul.f32 v11, v8;
	v11 =	vld [tilespmem:s0+$0xE0];
	v3, _, _ =	vpop (xrf2)  }
0x75: {  	v7 =	vld [tilespmem:s28+$0xE0];
	v16, _, _ =	vpop (xrf2)  }
0x76: {  	v2 =	vmul.f32 v2, v14;
	v14, _, _ =	vpop (xrf2)  }
0x77: {  	v17 =	vld [tilespmem:s28+$0xF0];
	(xrf2) =	vadd.scan.msk.f32 $0xffff, v4;
	v5 =	vmul.f32 v6, v5;
	v6 =	vmul.f32 v15, v9;
	v4, _, _ =	vpop (xrf2)  }
0x78: {  	v2 =	vadd.f32 v8, v2;
	v8 =	vld [tilespmem:s0+$0xF0];
	v18, _, _ =	vpop (xrf2)  }
0x79: {  	v9, _, _ =	vpop (xrf2)  }
0x7a: {  	(xrf2) =	vadd.scan.msk.f32 $0xffff, v2;
	v2 =	vadd.f32 v6, v5;
	v5 =	vmul.f32 v11, v7;
	v7 =	vbroadcast v9, $0xF  }
0x7b: {  	v6, _, _ =	vpop (xrf2)  }
0x7c: {  	v6 =	vbroadcast v6, $0xF  }
0x7d: {  	v11 =	vbroadcast v18, $0xF;
	v8 =	vmul.f32 v8, v17  }
0x7e: {  	v4 =	vbroadcast v4, $0xF;
	v6 =	vsel vm0, v7, v6;
	v7, _, _ =	vpop (xrf2)  }
0x7f: {  	v9 =	vld [tilespmem:s26+$0x0];
	(xrf2) =	vadd.scan.msk.f32 $0xffff, v2;
	v6 =	vsel vm1, v6, v11;
	v7 =	vbroadcast v7, $0xF  }
0x80: {  	v2 =	vmov s26;
	v4 =	vsel vm2, v6, v4;
	v6 =	vbroadcast v14, $0xF  }
0x81: {  	v15 =	vld [tilespmem:s25+$0x0];
	v5 =	vadd.f32 v8, v5;
	v8, _, _ =	vpop (xrf2);
	v4 =	vsel vm3, v4, v7;
	v7 =	vbroadcast v16, $0xF  }
0x82: {  	v2 =	vshll.u32 v2, $0x4;
	v4 =	vsel vm4, v4, v6;
	v6 =	vbroadcast v8, $0xF  }
0x83: {  	v3 =	vbroadcast v3, $0xF;
	v2 =	vor.u32 v0, v2;
	(xrf2) =	vadd.scan.msk.f32 $0xffff, v5;
	v4 =	vsel vm5, v4, v7  }
0x84: {  	v5 =	vand.u32 $0xF, v9;
	v8, _, _ =	vpop (xrf2);
	v4 =	vsel vm6, v4, v6;
	v6 =	vbroadcast v13, $0xF  }
0x85: {  	v5 =	vor.u32 v2, v5;
	v3 =	vsel vm7, v4, v3;
	v4 =	vbroadcast v8, $0xF  }
0x86: {  	v7 =	vand.u32 $0xF, v15;
	v3 =	vsel vm8, v3, v6;
	v6 =	vbroadcast v12, $0xF  }
0x87: {  	v1 =	vbroadcast v1, $0xF;
	v2 =	vor.u32 v2, v7;
	v3 =	vsel vm9, v3, v4  }
0x88: {  	v3 =	vsel vm10, v3, v6  }
0x89: {  	v4, _, _ =	vpop (xrf2);
	v1 =	vsel vm11, v3, v1;
	v3 =	vbroadcast v10, $0xF  }
0x8a: {  	v5 =	vld.idx.msk [tilespmem:v5+s16+$0x0], $0xffff;
	v4 =	vbroadcast v4, $0xF;
	_ =	sdelay $0x1  }
0x8b: {  	v2 =	vld.idx.msk [tilespmem:v2+s18+$0x0], $0xffff;
	v1 =	vsel vm12, v1, v4  }
0x8c: {  	v1 =	vsel vm13, v1, v3;
	v3, _, _ =	vpop (xrf2)  }
0x8d: {  	v1 =	vsel vm14, v1, v3  }
0x8e: {  	v1 =	vadd.f32 v1, v5;
	_ =	sdelay $0x1  }
0x8f: {  	v1 =	vadd.f32 v1, v2  }
0x90: {  	s28 =	simm.s32 $0xC800  }
0x91: {  	s30 =	simm.s32 $0xB00;
	[tilespmem:s28+$0x0] =	vst v1  }
0x92: {  	s29 =	simm.s32 $0x4B00;
	v2 =	vld [tilespmem:s30+$0xC0]  }
0x93: {  	v4 =	vld [tilespmem:s29+$0xC0]  }
0x94: {  	v5 =	vld [tilespmem:s30+$0xD0]  }
0x95: {  	v7 =	vld [tilespmem:s29+$0xD0]  }
0x96: {  	v1 =	vld [tilespmem:s30+$0xA0]  }
0x97: {  	v8 =	vld [tilespmem:s30+$0x80]  }
0x98: {  	v9 =	vld [tilespmem:s29+$0x80]  }
0x99: {  	v10 =	vld [tilespmem:s30+$0x90]  }
0x9a: {  	v11 =	vld [tilespmem:s29+$0x90]  }
0x9b: {  	v12 =	vld [tilespmem:s30+$0x60]  }
0x9c: {  	v13 =	vld [tilespmem:s29+$0x60]  }
0x9d: {  	v14 =	vld [tilespmem:s30+$0x70]  }
0x9e: {  	v15 =	vld [tilespmem:s29+$0x70]  }
0x9f: {  	v3 =	vld [tilespmem:s30+$0x40]  }
0xa0: {  	v16 =	vld [tilespmem:s30+$0x20]  }
0xa1: {  	v17 =	vld [tilespmem:s29+$0x20]  }
0xa2: {  	v18 =	vld [tilespmem:s30+$0x30]  }
0xa3: {  	v19 =	vld [tilespmem:s29+$0x30]  }
0xa4: {  	v20 =	vld [tilespmem:s30+$0x0]  }
0xa5: {  	v52 =	vld [tilespmem:s29+$0x0]  }
0xa6: {  	v53 =	vld [tilespmem:s30+$0x10]  }
0xa7: {  	v54 =	vld [tilespmem:s29+$0x10]  }
0xa8: {  	v6 =	vld [tilespmem:s30+$0xFFFFFFE0]  }
0xa9: {  	v55 =	vld [tilespmem:s30+$0xFFFFFFC0]  }
0xaa: {  	v56 =	vld [tilespmem:s29+$0xFFFFFFC0];
	v2 =	vmul.f32 v4, v2;
	v4 =	vmul.f32 v7, v5  }
0xab: {  	v57 =	vld [tilespmem:s30+$0xFFFFFFD0]  }
0xac: {  	v58 =	vld [tilespmem:s29+$0xFFFFFFD0];
	v2 =	vadd.f32 v4, v2  }
0xad: {  	v59 =	vld [tilespmem:s30+$0xFFFFFFA0];
	v7 =	vmul.f32 v9, v8;
	v9 =	vmul.f32 v11, v10  }
0xae: {  	v60 =	vld [tilespmem:s29+$0xFFFFFFA0];
	(xrf2) =	vadd.scan.msk.f32 $0xffff, v2  }
0xaf: {  	v61 =	vld [tilespmem:s30+$0xFFFFFFB0];
	v10 =	vmul.f32 v15, v14;
	v4 =	vmul.f32 v13, v12;
	v7 =	vadd.f32 v9, v7  }
0xb0: {  	v5 =	vld [tilespmem:s29+$0xFFFFFFB0];
	v11 =	vmul.f32 v19, v18;
	v9 =	vmul.f32 v17, v16  }
0xb1: {  	v8 =	vld [tilespmem:s30+$0xFFFFFF80];
	v2 =	vadd.f32 v10, v4;
	(xrf2) =	vadd.scan.msk.f32 $0xffff, v7  }
0xb2: {  	v14 =	vld [tilespmem:s29+$0xFFFFFF60];
	v7 =	vadd.f32 v11, v9  }
0xb3: {  	v15 =	vld [tilespmem:s29+$0xFFFFFF70];
	(xrf2) =	vadd.scan.msk.f32 $0xffff, v2  }
0xb4: {  	v18 =	vld [tilespmem:s30+$0xFFFFFF50];
	v2 =	vmul.f32 v52, v20;
	(xrf2) =	vadd.scan.msk.f32 $0xffff, v7;
	v7 =	vmul.f32 v54, v53  }
0xb5: {  	v19 =	vld [tilespmem:s29+$0xFFFFFF50]  }
0xb6: {  	v4 =	vld [tilespmem:s30+$0xFFFFFF70];
	v7 =	vadd.f32 v7, v2  }
0xb7: {  	v12 =	vld [tilespmem:s30+$0xFFFFFF60];
	v13 =	vmul.f32 v56, v55;
	v20 =	vmul.f32 v58, v57  }
0xb8: {  	v16 =	vld [tilespmem:s30+$0xFFFFFF40];
	v2, _, _ =	vpop (xrf2);
	(xrf2) =	vadd.scan.msk.f32 $0xffff, v7  }
0xb9: {  	v17 =	vld [tilespmem:s29+$0xFFFFFF40];
	v20 =	vadd.f32 v20, v13  }
0xba: {  	v62 =	vmul.f32 v60, v59;
	v10 =	vld [tilespmem:s29+$0xFFFFFF00];
	v5 =	vmul.f32 v5, v61  }
0xbb: {  	v9 =	vld [tilespmem:s30+$0xFFFFFF00];
	v15 =	vmul.f32 v15, v4;
	v4, _, _ =	vpop (xrf2);
	(xrf2) =	vadd.scan.msk.f32 $0xffff, v20  }
0xbc: {  	v11 =	vld [tilespmem:s30+$0xFFFFFF10];
	v7 =	vadd.f32 v5, v62  }
0xbd: {  	v63 =	vmul.f32 v14, v12;
	v12 =	vld [tilespmem:s30+$0xFFFFFF20]  }
0xbe: {  	v13 =	vld [tilespmem:s29+$0xFFFFFF10];
	v5, _, _ =	vpop (xrf2);
	(xrf2) =	vadd.scan.msk.f32 $0xffff, v7  }
0xbf: {  	v14 =	vld [tilespmem:s29+$0xFFFFFF20];
	v20 =	vadd.f32 v15, v63  }
0xc0: {  	v18 =	vmul.f32 v19, v18;
	v17 =	vmul.f32 v17, v16;
	v16 =	vld [tilespmem:s29+$0xFFFFFF30]  }
0xc1: {  	s31 =	simm.s32 $0x10;
	s0 =	simm.s32 $0x20;
	v15 =	vld [tilespmem:s30+$0xFFFFFF30];
	v7, _, _ =	vpop (xrf2);
	(xrf2) =	vadd.scan.msk.f32 $0xffff, v20  }
.LBB2_4:
0xc2: {  	p0 =	sne.s32 s0, $0x1F0;
	v20 =	vadd.f32 v18, v17;
	v18 =	vld [tilespmem:s29+$0xFFFFFF80];
	v19, _, _ =	vpop (xrf2)  }
0xc3: {  	v9 =	vmul.f32 v10, v9;
	v10 =	vmul.f32 v13, v11;
	v11 =	vld [tilespmem:s30+$0xFFFFFF90]  }
0xc4: {  	v13 =	vld [tilespmem:s29+$0xFFFFFF90];
	(xrf2) =	vadd.scan.msk.f32 $0xffff, v20  }
0xc5: {  	v9 =	vadd.f32 v10, v9;
	v10 =	vld [tilespmem:s29+$0xFFFFFFE0];
	v17, _, _ =	vpop (xrf2)  }
0xc6: {  	v12 =	vmul.f32 v14, v12;
	v20 =	vmul.f32 v16, v15;
	v15 =	vld [tilespmem:s30+$0xFFFFFFF0]  }
0xc7: {  	v16 =	vld [tilespmem:s29+$0xFFFFFFF0];
	(xrf2) =	vadd.scan.msk.f32 $0xffff, v9  }
0xc8: {  	v9 =	vadd.f32 v20, v12;
	v12 =	vld [tilespmem:s29+$0x40];
	v14, _, _ =	vpop (xrf2)  }
0xc9: {  	v8 =	vmul.f32 v18, v8;
	v20 =	vmul.f32 v13, v11;
	v13 =	vld [tilespmem:s30+$0x50]  }
0xca: {  	v18 =	vld [tilespmem:s29+$0x50];
	(xrf2) =	vadd.scan.msk.f32 $0xffff, v9  }
0xcb: {  	v8 =	vadd.f32 v20, v8;
	v9 =	vld [tilespmem:s29+$0xA0];
	v11, _, _ =	vpop (xrf2)  }
0xcc: {  	v6 =	vmul.f32 v10, v6;
	v20 =	vmul.f32 v16, v15;
	v15 =	vld [tilespmem:s30+$0xB0]  }
0xcd: {  	v16 =	vld [tilespmem:s29+$0xB0];
	(xrf2) =	vadd.scan.msk.f32 $0xffff, v8  }
0xce: {  	v6 =	vadd.f32 v20, v6;
	v8 =	vld [tilespmem:s30+$0xE0];
	v10, _, _ =	vpop (xrf2)  }
0xcf: {  	v3 =	vmul.f32 v12, v3;
	v20 =	vmul.f32 v18, v13;
	v13 =	vld [tilespmem:s29+$0xE0]  }
0xd0: {  	v18 =	vld [tilespmem:s30+$0xF0];
	(xrf2) =	vadd.scan.msk.f32 $0xffff, v6  }
0xd1: {  	v3 =	vadd.f32 v20, v3;
	v6 =	vld [tilespmem:s29+$0xF0];
	v12, _, _ =	vpop (xrf2)  }
0xd2: {  	v1 =	vmul.f32 v9, v1;
	v9 =	vmul.f32 v16, v15  }
0xd3: {  	(xrf2) =	vadd.scan.msk.f32 $0xffff, v3  }
0xd4: {  	s26 =	sadd.s32 $0x10, s26;
	v1 =	vadd.f32 v9, v1;
	v3 =	vmul.f32 v13, v8;
	v8, _, _ =	vpop (xrf2)  }
0xd5: {  	v15 =	vbroadcast v12, $0xF;
	v9 =	vld [tilespmem:s26+$0x0];
	v8 =	vbroadcast v8, $0xF  }
0xd6: {  	s25 =	sadd.s32 $0x10, s25;
	v10 =	vbroadcast v10, $0xF;
	v13 =	vmov s31;
	s31 =	smov.u32 s0;
	v6 =	vmul.f32 v6, v18;
	(xrf2) =	vadd.scan.msk.f32 $0xffff, v1  }
0xd7: {  	v1 =	vshll.u32 v13, $0x4;
	v13 =	vld [tilespmem:s25+$0x0];
	v8 =	vsel vm0, v15, v8;
	v15 =	vbroadcast v11, $0xF;
	v12, _, _ =	vpop (xrf2)  }
0xd8: {  	v8 =	vsel vm1, v8, v10;
	v10 =	vbroadcast v12, $0xF;
	v3 =	vadd.f32 v6, v3  }
0xd9: {  	v1 =	vor.u32 v0, v1;
	v6 =	vsel vm2, v8, v15;
	v8 =	vbroadcast v14, $0xF  }
0xda: {  	v9 =	vand.u32 $0xF, v9;
	v6 =	vsel vm3, v6, v10;
	v10 =	vbroadcast v17, $0xF;
	v11, _, _ =	vpop (xrf2);
	(xrf2) =	vadd.scan.msk.f32 $0xffff, v3  }
0xdb: {  	v3 =	vor.u32 v1, v9;
	v6 =	vsel vm4, v6, v8;
	v11 =	vbroadcast v11, $0xF  }
0xdc: {  	v9 =	vand.u32 $0xF, v13;
	v6 =	vsel vm5, v6, v10;
	v10 =	vbroadcast v19, $0xF  }
0xdd: {  	v1 =	vor.u32 v1, v9;
	v6 =	vsel vm6, v6, v11;
	v9 =	vbroadcast v7, $0xF;
	v8, _, _ =	vpop (xrf2)  }
0xde: {  	v6 =	vsel vm7, v6, v10;
	v8 =	vbroadcast v8, $0xF  }
0xdf: {  	v5 =	vbroadcast v5, $0xF;
	v6 =	vsel vm8, v6, v9  }
0xe0: {  	v4 =	vbroadcast v4, $0xF;
	v3 =	vld.idx.msk [tilespmem:v3+s16+$0x0], $0xffff;
	v6 =	vsel vm9, v6, v8;
	v7, _, _ =	vpop (xrf2)  }
0xe1: {  	v5 =	vsel vm10, v6, v5;
	v6 =	vbroadcast v7, $0xF  }
0xe2: {  	v2 =	vbroadcast v2, $0xF;
	v1 =	vld.idx.msk [tilespmem:v1+s18+$0x0], $0xffff;
	v7 =	vsel vm11, v5, v4  }
0xe3: {  	v5 =	vsel vm12, v7, v6  }
0xe4: {  	v2 =	vsel vm13, v5, v2;
	v4, _, _ =	vpop (xrf2)  }
0xe5: {  	v2 =	vsel vm14, v2, v4  }
0xe6: {  	v2 =	vadd.f32 v2, v3;
	_ =	sdelay $0x1  }
0xe7: {  	v1 =	vadd.f32 v2, v1  }
0xe8: {  	s28 =	sadd.s32 $0x10, s28  }
0xe9: {  	s30 =	sadd.s32 $0x200, s30;
	[tilespmem:s28+$0x0] =	vst v1  }
0xea: {  	s29 =	sadd.s32 $0x200, s29;
	v2 =	vld [tilespmem:s30+$0xC0]  }
0xeb: {  	v4 =	vld [tilespmem:s29+$0xC0]  }
0xec: {  	v5 =	vld [tilespmem:s30+$0xD0]  }
0xed: {  	v7 =	vld [tilespmem:s29+$0xD0]  }
0xee: {  	v1 =	vld [tilespmem:s30+$0xA0]  }
0xef: {  	v8 =	vld [tilespmem:s30+$0x80]  }
0xf0: {  	v9 =	vld [tilespmem:s29+$0x80]  }
0xf1: {  	v10 =	vld [tilespmem:s30+$0x90]  }
0xf2: {  	v11 =	vld [tilespmem:s29+$0x90]  }
0xf3: {  	v12 =	vld [tilespmem:s30+$0x60]  }
0xf4: {  	v13 =	vld [tilespmem:s29+$0x60]  }
0xf5: {  	v14 =	vld [tilespmem:s30+$0x70]  }
0xf6: {  	v15 =	vld [tilespmem:s29+$0x70]  }
0xf7: {  	v3 =	vld [tilespmem:s30+$0x40]  }
0xf8: {  	v16 =	vld [tilespmem:s30+$0x20]  }
0xf9: {  	v17 =	vld [tilespmem:s29+$0x20]  }
0xfa: {  	v18 =	vld [tilespmem:s30+$0x30]  }
0xfb: {  	v19 =	vld [tilespmem:s29+$0x30]  }
0xfc: {  	v20 =	vld [tilespmem:s30+$0x0]  }
0xfd: {  	v21 =	vld [tilespmem:s29+$0x0]  }
0xfe: {  	v22 =	vld [tilespmem:s30+$0x10]  }
0xff: {  	v23 =	vld [tilespmem:s29+$0x10]  }
0x100: {  	v2 =	vmul.f32 v4, v2;
	v4 =	vmul.f32 v7, v5;
	v6 =	vld [tilespmem:s30+$0xFFFFFFE0]  }
0x101: {  	v5 =	vld [tilespmem:s30+$0xFFFFFFC0]  }
0x102: {  	v2 =	vadd.f32 v4, v2;
	v7 =	vld [tilespmem:s29+$0xFFFFFFC0]  }
0x103: {  	v8 =	vmul.f32 v9, v8;
	v9 =	vmul.f32 v11, v10;
	v4 =	vld [tilespmem:s30+$0xFFFFFFD0]  }
0x104: {  	v10 =	vld [tilespmem:s29+$0xFFFFFFD0];
	(xrf2) =	vadd.scan.msk.f32 $0xffff, v2  }
0x105: {  	v2 =	vadd.f32 v9, v8;
	v11 =	vld [tilespmem:s30+$0xFFFFFFA0]  }
0x106: {  	v8 =	vmul.f32 v13, v12;
	v9 =	vmul.f32 v15, v14;
	v24 =	vld [tilespmem:s29+$0xFFFFFFA0]  }
0x107: {  	v12 =	vld [tilespmem:s30+$0xFFFFFFB0];
	(xrf2) =	vadd.scan.msk.f32 $0xffff, v2  }
0x108: {  	v2 =	vadd.f32 v9, v8;
	v13 =	vld [tilespmem:s29+$0xFFFFFFB0]  }
0x109: {  	v14 =	vmul.f32 v19, v18;
	v9 =	vmul.f32 v17, v16;
	v8 =	vld [tilespmem:s30+$0xFFFFFF80]  }
0x10a: {  	v15 =	vld [tilespmem:s30+$0xFFFFFF60];
	(xrf2) =	vadd.scan.msk.f32 $0xffff, v2  }
0x10b: {  	v25 =	vadd.f32 v14, v9;
	v16 =	vld [tilespmem:s29+$0xFFFFFF60]  }
0x10c: {  	v17 =	vmul.f32 v23, v22;
	v9 =	vmul.f32 v21, v20;
	v14 =	vld [tilespmem:s30+$0xFFFFFF70]  }
0x10d: {  	v18 =	vld [tilespmem:s29+$0xFFFFFF70];
	(xrf2) =	vadd.scan.msk.f32 $0xffff, v25  }
0x10e: {  	v9 =	vadd.f32 v17, v9;
	v19 =	vld [tilespmem:s30+$0xFFFFFF40];
	v2, _, _ =	vpop (xrf2)  }
0x10f: {  	v5 =	vmul.f32 v7, v5;
	v7 =	vmul.f32 v10, v4;
	v17 =	vld [tilespmem:s29+$0xFFFFFF40]  }
0x110: {  	v20 =	vld [tilespmem:s30+$0xFFFFFF50];
	(xrf2) =	vadd.scan.msk.f32 $0xffff, v9  }
0x111: {  	v22 =	vadd.f32 v7, v5;
	v21 =	vld [tilespmem:s29+$0xFFFFFF50];
	v4, _, _ =	vpop (xrf2)  }
0x112: {  	v7 =	vmul.f32 v24, v11;
	v12 =	vmul.f32 v13, v12;
	v9 =	vld [tilespmem:s30+$0xFFFFFF00]  }
0x113: {  	v10 =	vld [tilespmem:s29+$0xFFFFFF00];
	(xrf2) =	vadd.scan.msk.f32 $0xffff, v22  }
0x114: {  	v23 =	vadd.f32 v12, v7;
	v11 =	vld [tilespmem:s30+$0xFFFFFF10];
	v5, _, _ =	vpop (xrf2)  }
.Ltmp1:
0x115: {  	v15 =	vmul.f32 v16, v15;
	v16 =	vmul.f32 v18, v14;
	v13 =	vld [tilespmem:s29+$0xFFFFFF10];
	(pc) =	sbr.rel @p0 .LBB2_4-.Ltmp1, $4  }
0x116: {  	v12 =	vld [tilespmem:s30+$0xFFFFFF20];
	(xrf2) =	vadd.scan.msk.f32 $0xffff, v23  }
0x117: {  	v22 =	vadd.f32 v16, v15;
	v14 =	vld [tilespmem:s29+$0xFFFFFF20];
	v7, _, _ =	vpop (xrf2)  }
0x118: {  	v17 =	vmul.f32 v17, v19;
	v18 =	vmul.f32 v21, v20;
	v15 =	vld [tilespmem:s30+$0xFFFFFF30]  }
0x119: {  	s0 =	sadd.s32 $0x10, s0;
	v16 =	vld [tilespmem:s29+$0xFFFFFF30];
	(xrf2) =	vadd.scan.msk.f32 $0xffff, v22  }
0x11a: {  	v19 =	vld [tilespmem:s29+$0xFFFFFF80]  }
0x11b: {  	v20 =	vld [tilespmem:s30+$0xFFFFFF90]  }
0x11c: {  	v21 =	vld [tilespmem:s29+$0xFFFFFF90]  }
0x11d: {  	v9 =	vmul.f32 v10, v9;
	v23 =	vmul.f32 v13, v11;
	v24 =	vld [tilespmem:s29+$0xFFFFFFE0]  }
0x11e: {  	v25 =	vadd.f32 v18, v17;
	v27 =	vld [tilespmem:s30+$0xFFFFFFF0];
	v12 =	vmul.f32 v14, v12;
	v26 =	vmul.f32 v16, v15  }
0x11f: {  	v28 =	vld [tilespmem:s29+$0xFFFFFFF0];
	v9 =	vadd.f32 v23, v9  }
0x120: {  	v29 =	vld [tilespmem:s29+$0x40];
	(xrf2) =	vadd.scan.msk.f32 $0xffff, v25;
	v12 =	vadd.f32 v26, v12  }
0x121: {  	v31 =	vld [tilespmem:s30+$0x50];
	(xrf2) =	vadd.scan.msk.f32 $0xffff, v9;
	v8 =	vmul.f32 v19, v8;
	v30 =	vmul.f32 v21, v20  }
0x122: {  	v32 =	vld [tilespmem:s29+$0x50];
	(xrf2) =	vadd.scan.msk.f32 $0xffff, v12  }
0x123: {  	v33 =	vld [tilespmem:s29+$0xA0];
	v8 =	vadd.f32 v30, v8  }
0x124: {  	v34 =	vld [tilespmem:s30+$0xB0];
	v6 =	vmul.f32 v24, v6;
	v10 =	vmul.f32 v28, v27  }
0x125: {  	v35 =	vld [tilespmem:s29+$0xB0];
	(xrf2) =	vadd.scan.msk.f32 $0xffff, v8  }
0x126: {  	v36, _, _ =	vpop (xrf2);
	v42 =	vld [tilespmem:s30+$0xF0];
	v6 =	vadd.f32 v10, v6  }
0x127: {  	v44 =	vld [tilespmem:s29+$0xF0];
	v38, _, _ =	vpop (xrf2);
	v3 =	vmul.f32 v29, v3;
	v39 =	vmul.f32 v32, v31  }
0x128: {  	v37 =	vld [tilespmem:s30+$0xE0];
	v41, _, _ =	vpop (xrf2);
	(xrf2) =	vadd.scan.msk.f32 $0xffff, v6  }
0x129: {  	v40 =	vld [tilespmem:s29+$0xE0];
	v3 =	vadd.f32 v39, v3;
	v43, _, _ =	vpop (xrf2)  }
0x12a: {  	v1 =	vmul.f32 v33, v1;
	v46 =	vmul.f32 v35, v34;
	v45, _, _ =	vpop (xrf2)  }
0x12b: {  	(xrf2) =	vadd.scan.msk.f32 $0xffff, v3;
	v47, _, _ =	vpop (xrf2)  }
0x12c: {  	v13 =	vmul.f32 v44, v42;
	v1 =	vadd.f32 v46, v1;
	v48, _, _ =	vpop (xrf2)  }
0x12d: {  	s0 =	sadd.s32 $0x10, s26;
	v49 =	vbroadcast v47, $0xF;
	v9 =	vbroadcast v48, $0xF  }
0x12e: {  	v50 =	vld [tilespmem:s0+$0x0];
	v3 =	vmul.f32 v40, v37;
	(xrf2) =	vadd.scan.msk.f32 $0xffff, v1;
	v51 =	vbroadcast v45, $0xF  }
0x12f: {  	s30 =	sadd.s32 $0x10, s25;
	v6 =	vbroadcast v43, $0xF;
	v1 =	vmov s31;
	v52, _, _ =	vpop (xrf2);
	v9 =	vsel vm0, v49, v9  }
0x130: {  	v53 =	vld [tilespmem:s30+$0x0];
	v3 =	vadd.f32 v13, v3;
	v10 =	vbroadcast v52, $0xF;
	v9 =	vsel vm1, v9, v51  }
0x131: {  	v54 =	vbroadcast v41, $0xF;
	v1 =	vshll.u32 v1, $0x4;
	v6 =	vsel vm2, v9, v6  }
0x132: {  	v55 =	vbroadcast v38, $0xF;
	v1 =	vor.u32 v0, v1;
	v56, _, _ =	vpop (xrf2);
	(xrf2) =	vadd.scan.msk.f32 $0xffff, v3;
	v6 =	vsel vm3, v6, v10  }
0x133: {  	v3 =	vand.u32 $0xF, v50;
	v57 =	vbroadcast v56, $0xF;
	v6 =	vsel vm4, v6, v54  }
0x134: {  	v8 =	vbroadcast v36, $0xF;
	v3 =	vor.u32 v1, v3;
	v6 =	vsel vm5, v6, v55  }
0x135: {  	v7 =	vbroadcast v7, $0xF;
	v58 =	vand.u32 $0xF, v53;
	v59, _, _ =	vpop (xrf2);
	v6 =	vsel vm6, v6, v57  }
0x136: {  	v1 =	vor.u32 v1, v58;
	v60 =	vbroadcast v59, $0xF;
	v6 =	vsel vm7, v6, v8  }
0x137: {  	v5 =	vbroadcast v5, $0xF;
	v6 =	vsel vm8, v6, v7  }
0x138: {  	v4 =	vbroadcast v4, $0xF;
	v61, _, _ =	vpop (xrf2);
	v6 =	vsel vm9, v6, v60  }
0x139: {  	v62 =	vbroadcast v61, $0xF;
	v3 =	vld.idx.msk [tilespmem:v3+s16+$0x0], $0xffff;
	v5 =	vsel vm10, v6, v5  }
0x13a: {  	v2 =	vbroadcast v2, $0xF;
	v4 =	vsel vm11, v5, v4  }
0x13b: {  	v1 =	vld.idx.msk [tilespmem:v1+s18+$0x0], $0xffff;
	v4 =	vsel vm12, v4, v62  }
0x13c: {  	v63, _, _ =	vpop (xrf2);
	v2 =	vsel vm13, v4, v2  }
0x13d: {  	v2 =	vsel vm14, v2, v63  }
0x13e: {  	v2 =	vadd.f32 v2, v3;
	_ =	sdelay $0x1  }
0x13f: {  	s24 =	sadd.s32 $0x1, s24;
	v1 =	vadd.f32 v2, v1  }
0x140: {  	p0 =	sne.s32 s24, s10;
	s31 =	sadd.s32 $0x10, s28  }
.Ltmp2:
0x141: {  	[tilespmem:s31+$0x0] =	vst v1;
	(pc) =	sbr.rel @p0 .LBB2_1-.Ltmp2, $4  }
0x142: {  	[hbm4b:s9+s2] =	stream.linear.scatter [tilespmem:s23], [sflag:$0x5], $0x200, $0x38;
	[tilespmem:$0xCA00] =	vst v63  }
0x143: {  	_ =	swait.ge [sflag:s11], $0x200  }
0x144: {  	[sflag:s11] =	ssyncset.done $0x0  }
0x145: {  	[sflag:s11] =	ssyncadd.s32 $0xFFFFFE00  }
0x146: {  	_ =	sfence.sel $0x180000  }
0x147: {  	[bflag:$0x0] =	sbarrier.arrive $0xFFFF  }
0x148: {  	_ =	strace $0x90000047  }
0x149: {  	[bflag:$0x2] =	sbarrier.arrive $0xFFFF  }
0x14a: {  	p0 =	sne.s32 s3, $0x0;
	s0 =	rddreg [dreg:$0x4]  }
0x14b: {  	s0 =	sadd.s32 @!p0 $0x100000, s0  }
0x14c: {  	[sflag:s0] =	ssyncadd.tile.s32 @!p0 $0x1;
	_ =	shalt  }
.Lfunc_end2:
_tile_overlayer_lowered:
.L_overlay_start_2:
0x14d: {  	(tag) =	ssettag $0x2  }
0x14e: {  	s0 =	rddreg [dreg:$0x0];
	s2 =	stileid.u32  }
0x14f: {  	s1 =	rddreg [dreg:$0x1];
	p0 =	sne.s32 s2, $0x0  }
0x150: {  	s3 =	rddreg [dreg:$0x2];
	[bflag:$0x3] =	sbarrier.arrive $0xFFFF;
	s2 =	simm.s32 @!p0 $0x1C05  }
0x151: {  	[timem:s3], [sflag:s2] =	dma.local @!p0 [hbm:s0], s1  }
0x152: {  	s0 =	simm.s32 @!p0 $0x5  }
0x153: {  	_ =	swait.ge @!p0 [sflag:s0], s1  }
0x154: {  	s1 =	ssub.s32 @!p0 $0x0, s1;
	[sflag:s0] =	ssyncset.done @!p0 $0x0  }
0x155: {  	[sflag:s0] =	ssyncadd.s32 @!p0 s1  }
0x156: {  	[bflag:$0x3] =	sbarrier.arrive $0xFFFF  }
0x157: {  	_ =	shalt  }

</sc_bundles>
